<compile_context>
chip_gen: v7x
topology: tpu7x:2x2x1
jax: 0.10.2.dev20260603
libtpu: 0.0.44.dev20260713+nightly
codegen_flags: <defaults>
</compile_context>

<pallas_src>
import jax
from jax import lax
import jax.numpy as jnp
from jax.experimental import pallas as pl
from jax.experimental.pallas import tpu as pltpu
from jax.experimental.pallas import tpu_sc as plsc

DIM = 64
PAD = 128
NW = 32
NS = 16
CH = 128
NB = 16384
BB = 8192


def _transpose_pad(table):
    V = table.shape[0]
    tab_t = jnp.transpose(table)

    def body(t_ref, o_ref):
        o_ref[:, :DIM] = jnp.transpose(t_ref[...])

    return pl.pallas_call(
        body,
        grid=(pl.cdiv(V, NB),),
        in_specs=[pl.BlockSpec((DIM, NB), lambda i: (0, i))],
        out_specs=pl.BlockSpec((NB, PAD), lambda i: (i, 0)),
        out_shape=jax.ShapeDtypeStruct((V, PAD), jnp.float32),
    )(tab_t)


def _gather_jm(tab128, idx_cm, B, L):
    n = B * L
    rwl = n // NW
    C = rwl // CH
    cpp = B // CH

    mesh = plsc.VectorSubcoreMesh(core_axis_name="c", subcore_axis_name="s")

    @pl.kernel(
        out_type=jax.ShapeDtypeStruct((L, B, DIM), jnp.float32),
        mesh=mesh,
        scratch_types=[
            pltpu.VMEM((rwl,), jnp.int32),
            pltpu.VMEM((CH, PAD), jnp.float32),
            pltpu.VMEM((CH, PAD), jnp.float32),
            pltpu.VMEM((CH, DIM), jnp.float32),
            pltpu.VMEM((CH, DIM), jnp.float32),
            pltpu.SemaphoreType.DMA,
            pltpu.SemaphoreType.DMA,
            pltpu.SemaphoreType.DMA,
            pltpu.SemaphoreType.DMA,
        ],
    )
    def gather_kernel(tab_hbm, idx_hbm, out_hbm,
                      idx_v, g0, g1, o0, o1, gs0, gs1, ws0, ws1):
        wid = lax.axis_index("c") * NS + lax.axis_index("s")
        ibase = wid * rwl
        t0 = wid * C
        pltpu.sync_copy(idx_hbm.at[pl.ds(ibase, rwl)], idx_v)

        def gsrc(c):
            return tab_hbm.at[idx_v.at[pl.ds(c * CH, CH)]]

        def wdst(c):
            t = t0 + c
            return out_hbm.at[t // cpp, pl.ds((t % cpp) * CH, CH)]

        def compact(gbuf, obuf):
            @pl.loop(0, CH)
            def _(r):
                for k in range(DIM // 16):
                    obuf[r, pl.ds(k * 16, 16)] = gbuf[r, pl.ds(k * 16, 16)]

        pltpu.async_copy(gsrc(0), g0, gs0)
        pltpu.async_copy(gsrc(1), g1, gs1)

        def stage(c, gbuf, gsem, obuf, wsem):
            pltpu.make_async_copy(gsrc(c), gbuf, gsem).wait()

            @pl.when(c >= 2)
            def _():
                pltpu.make_async_copy(obuf, wdst(c - 2), wsem).wait()

            compact(gbuf, obuf)
            pltpu.async_copy(obuf, wdst(c), wsem)

            @pl.when(c + 2 < C)
            def _():
                pltpu.async_copy(gsrc(c + 2), gbuf, gsem)

        @pl.loop(0, C, step=2)
        def _(c):
            stage(c, g0, gs0, o0, ws0)
            stage(c + 1, g1, gs1, o1, ws1)

        pltpu.make_async_copy(o0, wdst(C - 2), ws0).wait()
        pltpu.make_async_copy(o1, wdst(C - 1), ws1).wait()

    return gather_kernel(tab128, idx_cm)


def _out_transpose(out_jm, B, L):

    def body(t_ref, o_ref):
        o_ref[0] = jnp.transpose(t_ref[0])

    return pl.pallas_call(
        body,
        grid=(L, B // BB),
        in_specs=[pl.BlockSpec((1, BB, DIM), lambda j, m: (j, m, 0))],
        out_specs=pl.BlockSpec((1, DIM, BB), lambda j, m: (j, 0, m)),
        out_shape=jax.ShapeDtypeStruct((L, DIM, B), jnp.float32),
    )(out_jm)


def kernel(head, tail, table):
    B, L = head.shape
    n = B * L
    head_i = jnp.transpose(head).reshape(n).astype(jnp.int32)
    tail_i = jnp.transpose(tail).reshape(n).astype(jnp.int32)
    tab128 = _transpose_pad(table)
    h_jm = _gather_jm(tab128, head_i, B, L)
    t_jm = _gather_jm(tab128, tail_i, B, L)
    h_t = _out_transpose(h_jm, B, L)
    t_t = _out_transpose(t_jm, B, L)
    return jnp.transpose(h_t, (2, 0, 1)), jnp.transpose(t_t, (2, 0, 1))

# --- scband reference (transcript-rebuilt; emitter-appended) ---
"""Pipeline reference for scband-entity-embedding-72834055406438 (READ-ONLY COPY).

The authoritative reference and input builder live on the scoring server;
editing this copy changes nothing except your own understanding.
"""

import jax, jax.numpy as jnp
import numpy as np

VOCAB = 1000000
DIM = 64
B = 16384
L = 20

def setup_inputs(seed: int = 0) -> dict:
    key = jax.random.key(seed)
    k1, k2, k3, k4 = jax.random.split(key, 4)
    word_vec_mat = jax.random.normal(k1, (VOCAB, DIM), dtype=jnp.float32)
    unk = jax.random.normal(k2, (1, DIM), dtype=jnp.float32) / np.sqrt(DIM)
    blk = jnp.zeros((1, DIM), dtype=jnp.float32)
    table = jnp.concatenate([word_vec_mat, unk, blk], axis=0)  # [VOCAB+2, DIM]
    head = jax.random.randint(k3, (B, L), 0, VOCAB, dtype=jnp.int32).astype(jnp.int64)
    tail = jax.random.randint(k4, (B, L), 0, VOCAB, dtype=jnp.int32).astype(jnp.int64)
    return {"head": head, "tail": tail, "table": table}

def reference(head, tail, table):
    head_emb = jnp.take(table, head, axis=0)
    tail_emb = jnp.take(table, tail, axis=0)
    return (head_emb, tail_emb)

if __name__ == "__main__":
    import jax
    _d = setup_inputs()
    print(jax.jit(kernel)(*tuple(_d.values())))

</pallas_src>

<mosaic_0001>
#map = affine_map<(d0, d1) -> (0, 0)>
#map1 = affine_map<(d0, d1) -> (0)>
#map2 = affine_map<(d0, d1) -> (0, 0, 0)>
module attributes {stable_mosaic.version = 14 : i64} {
  func.func @gather_kernel(%arg0: i32, %arg1: i32, %arg2: memref<1000002x128xf32, #tpu.memory_space<hbm>>, %arg3: memref<327680xi32, #tpu.memory_space<hbm>>, %arg4: memref<20x16384x64xf32, #tpu.memory_space<hbm>>, %arg5: memref<10240xi32, #tpu.memory_space<vmem>>, %arg6: memref<128x128xf32, #tpu.memory_space<vmem>>, %arg7: memref<128x128xf32, #tpu.memory_space<vmem>>, %arg8: memref<128x64xf32, #tpu.memory_space<vmem>>, %arg9: memref<128x64xf32, #tpu.memory_space<vmem>>, %arg10: memref<!tpu.dma_semaphore, #tpu.memory_space<semaphore_mem>>, %arg11: memref<!tpu.dma_semaphore, #tpu.memory_space<semaphore_mem>>, %arg12: memref<!tpu.dma_semaphore, #tpu.memory_space<semaphore_mem>>, %arg13: memref<!tpu.dma_semaphore, #tpu.memory_space<semaphore_mem>>) attributes {dimension_semantics = [#tpu.dimension_semantics<core_parallel>, #tpu.dimension_semantics<subcore_parallel>], iteration_bounds = array<i64: 2, 16>, scalar_prefetch = 0 : i64, scratch_operands = 9 : i64, tpu.core_type = #tpu.core_type<sc_vector_subcore>, window_params = [{transform_indices = #map}, {transform_indices = #map1}, {transform_indices = #map2}]} {
    %mul3A = arith.constant 16 : i32
    %mul3A_0 = arith.muli %arg0, %mul3A : i32
    %add3A = arith.addi %mul3A_0, %arg1 : i32
    %mul3A_1 = arith.constant 10240 : i32
    %mul3A_2 = arith.muli %add3A, %mul3A_1 : i32
    %mul3A_3 = arith.constant 80 : i32
    %mul3A_4 = arith.muli %add3A, %mul3A_3 : i32
    "tpu.region"() ({
      %run_scoped3A = tpu.sem_alloc : memref<!tpu.dma_semaphore, #tpu.memory_space<semaphore_mem>>
      %dma_start3A_107 = tpu.memref_slice %arg3[%mul3A_2] : memref<327680xi32, #tpu.memory_space<hbm>> -> memref<10240xi32, #tpu.memory_space<hbm>>
      %dma_start3A_108 = tpu.memref_slice %arg3[%mul3A_2] : memref<327680xi32, #tpu.memory_space<hbm>> -> memref<10240xi32, #tpu.memory_space<hbm>>
      tpu.enqueue_dma source(%dma_start3A_108 : memref<10240xi32, #tpu.memory_space<hbm>>) target(%arg5 : memref<10240xi32, #tpu.memory_space<vmem>>) target_semaphore(%run_scoped3A : memref<!tpu.dma_semaphore, #tpu.memory_space<semaphore_mem>>)
      %dma_wait3A_109 = tpu.memref_slice %arg3[%mul3A_2] : memref<327680xi32, #tpu.memory_space<hbm>> -> memref<10240xi32, #tpu.memory_space<hbm>>
      %dma_wait3A_110 = tpu.memref_slice %arg3[%mul3A_2] : memref<327680xi32, #tpu.memory_space<hbm>> -> memref<10240xi32, #tpu.memory_space<hbm>>
      tpu.wait_dma2 semaphore(%run_scoped3A : memref<!tpu.dma_semaphore, #tpu.memory_space<semaphore_mem>>) src(%dma_wait3A_110 : memref<10240xi32, #tpu.memory_space<hbm>>) dst(%arg5 : memref<10240xi32, #tpu.memory_space<vmem>>)
      tpu.yield
    }) : () -> ()
    %dma_start3A = arith.constant 0 : i32
    %dma_start3A_5 = tpu.memref_slice %arg5[%dma_start3A] : memref<10240xi32, #tpu.memory_space<vmem>> -> memref<128xi32, #tpu.memory_space<vmem>>
    %dma_start3A_6 = arith.constant 0 : i32
    %dma_start3A_7 = arith.constant 0 : i32
    %dma_start3A_8 = tpu.memref_slice %arg2[%dma_start3A_6, %dma_start3A_7] : memref<1000002x128xf32, #tpu.memory_space<hbm>> -> memref<1000002x128xf32, #tpu.memory_space<hbm>>
    tpu.enqueue_indirect_dma source(%dma_start3A_8 : memref<1000002x128xf32, #tpu.memory_space<hbm>>) target(%arg6 : memref<128x128xf32, #tpu.memory_space<vmem>>) offsets(%dma_start3A_5 : memref<128xi32, #tpu.memory_space<vmem>>) semaphore(%arg10 : memref<!tpu.dma_semaphore, #tpu.memory_space<semaphore_mem>>)
    %dma_start3A_9 = arith.constant 128 : i32
    %dma_start3A_10 = tpu.memref_slice %arg5[%dma_start3A_9] : memref<10240xi32, #tpu.memory_space<vmem>> -> memref<128xi32, #tpu.memory_space<vmem>>
    %dma_start3A_11 = arith.constant 0 : i32
    %dma_start3A_12 = arith.constant 0 : i32
    %dma_start3A_13 = tpu.memref_slice %arg2[%dma_start3A_11, %dma_start3A_12] : memref<1000002x128xf32, #tpu.memory_space<hbm>> -> memref<1000002x128xf32, #tpu.memory_space<hbm>>
    tpu.enqueue_indirect_dma source(%dma_start3A_13 : memref<1000002x128xf32, #tpu.memory_space<hbm>>) target(%arg7 : memref<128x128xf32, #tpu.memory_space<vmem>>) offsets(%dma_start3A_10 : memref<128xi32, #tpu.memory_space<vmem>>) semaphore(%arg11 : memref<!tpu.dma_semaphore, #tpu.memory_space<semaphore_mem>>)
    %scan3A = arith.constant 0 : i32
    %scan3A_14 = arith.constant 40 : i32
    %scan3A_15 = arith.addi %scan3A, %scan3A_14 : i32
    %scan3A_16 = arith.constant 1 : i32
    scf.for %scan3A_107 = %scan3A to %scan3A_15 step %scan3A_16  : i32 {
      %mul3A_108 = arith.constant 2 : i32
      %mul3A_109 = arith.muli %scan3A_107, %mul3A_108 : i32
      %add3A_110 = arith.constant 0 : i32
      %add3A_111 = arith.addi %add3A_110, %mul3A_109 : i32
      %mul3A_112 = arith.constant 128 : i32
      %mul3A_113 = arith.muli %add3A_111, %mul3A_112 : i32
      %dma_wait3A_114 = tpu.memref_slice %arg5[%mul3A_113] : memref<10240xi32, #tpu.memory_space<vmem>> -> memref<128xi32, #tpu.memory_space<vmem>>
      %dma_wait3A_115 = arith.constant 0 : i32
      %dma_wait3A_116 = arith.constant 0 : i32
      %dma_wait3A_117 = tpu.memref_slice %arg2[%dma_wait3A_115, %dma_wait3A_116] : memref<1000002x128xf32, #tpu.memory_space<hbm>> -> memref<1000002x128xf32, #tpu.memory_space<hbm>>
      tpu.wait_indirect_dma semaphore(%arg10 : memref<!tpu.dma_semaphore, #tpu.memory_space<semaphore_mem>>) src(%dma_wait3A_117 : memref<1000002x128xf32, #tpu.memory_space<hbm>>) dst(%arg6 : memref<128x128xf32, #tpu.memory_space<vmem>>)
      %ge3A = arith.constant 2 : i32
      %ge3A_118 = arith.cmpi sge, %add3A_111, %ge3A : i32
      %convert_element_type3A = arith.extui %ge3A_118 : i1 to i32
      %cond3A = arith.constant 0 : i32
      %cond3A_119 = arith.cmpi ne, %convert_element_type3A, %cond3A : i32
      scf.if %cond3A_119 {
        %sub3A_255 = arith.constant 2 : i32
        %sub3A_256 = arith.subi %add3A_111, %sub3A_255 : i32
        %add3A_257 = arith.addi %mul3A_4, %sub3A_256 : i32
        %jit3A_258 = arith.constant 128 : i32
        %div3A_259 = arith.divsi %add3A_257, %jit3A_258 : i32
        %sign3A_260 = arith.constant 0 : i32
        %sign3A_261 = arith.cmpi sgt, %add3A_257, %sign3A_260 : i32
        %sign3A_262 = arith.extui %sign3A_261 : i1 to i32
        %sign3A_263 = arith.constant 0 : i32
        %sign3A_264 = arith.cmpi slt, %add3A_257, %sign3A_263 : i32
        %sign3A_265 = arith.extui %sign3A_264 : i1 to i32
        %sign3A_266 = arith.subi %sign3A_262, %sign3A_265 : i32
        %sign3A_267 = arith.constant 0 : i32
        %sign3A_268 = arith.cmpi sgt, %jit3A_258, %sign3A_267 : i32
        %sign3A_269 = arith.extui %sign3A_268 : i1 to i32
        %sign3A_270 = arith.constant 0 : i32
        %sign3A_271 = arith.cmpi slt, %jit3A_258, %sign3A_270 : i32
        %sign3A_272 = arith.extui %sign3A_271 : i1 to i32
        %sign3A_273 = arith.subi %sign3A_269, %sign3A_272 : i32
        %ne3A_274 = arith.cmpi ne, %sign3A_266, %sign3A_273 : i32
        %rem3A_275 = arith.remsi %add3A_257, %jit3A_258 : i32
        %ne3A_276 = arith.constant 0 : i32
        %ne3A_277 = arith.cmpi ne, %rem3A_275, %ne3A_276 : i32
        %and3A_278 = arith.andi %ne3A_274, %ne3A_277 : i1
        %sub3A_279 = arith.constant 1 : i32
        %sub3A_280 = arith.subi %div3A_259, %sub3A_279 : i32
        %select_n3A_281 = arith.select %and3A_278, %sub3A_280, %div3A_259 : i32
        %jit3A_282 = arith.constant 128 : i32
        %eq3A_283 = arith.constant 0 : i32
        %eq3A_284 = arith.cmpi eq, %jit3A_282, %eq3A_283 : i32
        %jit3A_285 = arith.constant 1 : i32
        %select_n3A_286 = arith.select %eq3A_284, %jit3A_285, %jit3A_282 : i32
        %rem3A_287 = arith.remsi %add3A_257, %select_n3A_286 : i32
        %ne3A_288 = arith.constant 0 : i32
        %ne3A_289 = arith.cmpi ne, %rem3A_287, %ne3A_288 : i32
        %lt3A_290 = arith.constant 0 : i32
        %lt3A_291 = arith.cmpi slt, %rem3A_287, %lt3A_290 : i32
        %lt3A_292 = arith.constant 0 : i32
        %lt3A_293 = arith.cmpi slt, %select_n3A_286, %lt3A_292 : i32
        %ne3A_294 = arith.xori %lt3A_291, %lt3A_293 : i1
        %and3A_295 = arith.andi %ne3A_294, %ne3A_289 : i1
        %add3A_296 = arith.addi %rem3A_287, %select_n3A_286 : i32
        %select_n3A_297 = arith.select %and3A_295, %add3A_296, %rem3A_287 : i32
        %mul3A_298 = arith.constant 128 : i32
        %mul3A_299 = arith.muli %select_n3A_297, %mul3A_298 : i32
        %dma_wait3A_300 = arith.constant 0 : i32
        %dma_wait3A_301 = tpu.memref_slice %arg4[%select_n3A_281, %mul3A_299, %dma_wait3A_300] : memref<20x16384x64xf32, #tpu.memory_space<hbm>> -> memref<1x128x64xf32, #tpu.memory_space<hbm>>
        %dma_wait3A_302 = tpu.memref_squeeze %dma_wait3A_301 : memref<1x128x64xf32, #tpu.memory_space<hbm>> -> memref<128x64xf32, #tpu.memory_space<hbm>>
        %dma_wait3A_303 = arith.constant 0 : i32
        %dma_wait3A_304 = tpu.memref_slice %arg4[%select_n3A_281, %mul3A_299, %dma_wait3A_303] : memref<20x16384x64xf32, #tpu.memory_space<hbm>> -> memref<1x128x64xf32, #tpu.memory_space<hbm>>
        %dma_wait3A_305 = tpu.memref_squeeze %dma_wait3A_304 : memref<1x128x64xf32, #tpu.memory_space<hbm>> -> memref<128x64xf32, #tpu.memory_space<hbm>>
        tpu.wait_dma2 semaphore(%arg12 : memref<!tpu.dma_semaphore, #tpu.memory_space<semaphore_mem>>) src(%arg8 : memref<128x64xf32, #tpu.memory_space<vmem>>) dst(%dma_wait3A_305 : memref<128x64xf32, #tpu.memory_space<hbm>>)
      } else {
      }
      %scan3A_120 = arith.constant 0 : i32
      %scan3A_121 = arith.constant 128 : i32
      %scan3A_122 = arith.addi %scan3A_120, %scan3A_121 : i32
      %scan3A_123 = arith.constant 1 : i32
      scf.for %scan3A_255 = %scan3A_120 to %scan3A_122 step %scan3A_123  : i32 {
        %mul3A_256 = arith.constant 1 : i32
        %mul3A_257 = arith.muli %scan3A_255, %mul3A_256 : i32
        %add3A_258 = arith.constant 0 : i32
        %add3A_259 = arith.addi %add3A_258, %mul3A_257 : i32
        %get3A = arith.index_cast %add3A_259 : i32 to index
        %get3A_260 = arith.constant 0 : index
        %get3A_261 = tpu.vector_load %arg6[%get3A, %get3A_260] {strides = array<i32>} : memref<128x128xf32, #tpu.memory_space<vmem>>, vector<1x16xf32>,
        %get3A_262 = vector.shape_cast %get3A_261 : vector<1x16xf32> to vector<16xf32>
        %swap3A = arith.index_cast %add3A_259 : i32 to index
        %swap3A_263 = arith.constant 0 : index
        %swap3A_264 = tpu.vector_load %arg8[%swap3A, %swap3A_263] {strides = array<i32>} : memref<128x64xf32, #tpu.memory_space<vmem>>, vector<1x16xf32>,
        %swap3A_265 = vector.shape_cast %swap3A_264 : vector<1x16xf32> to vector<16xf32>
        %swap3A_266 = vector.shape_cast %get3A_262 : vector<16xf32> to vector<1x16xf32>
        tpu.vector_store %arg8[%swap3A, %swap3A_263], %swap3A_266 {strides = array<i32>} : memref<128x64xf32, #tpu.memory_space<vmem>>, vector<1x16xf32>,
        %get3A_267 = arith.index_cast %add3A_259 : i32 to index
        %get3A_268 = arith.constant 16 : index
        %get3A_269 = tpu.vector_load %arg6[%get3A_267, %get3A_268] {strides = array<i32>} : memref<128x128xf32, #tpu.memory_space<vmem>>, vector<1x16xf32>,
        %get3A_270 = vector.shape_cast %get3A_269 : vector<1x16xf32> to vector<16xf32>
        %swap3A_271 = arith.index_cast %add3A_259 : i32 to index
        %swap3A_272 = arith.constant 16 : index
        %swap3A_273 = tpu.vector_load %arg8[%swap3A_271, %swap3A_272] {strides = array<i32>} : memref<128x64xf32, #tpu.memory_space<vmem>>, vector<1x16xf32>,
        %swap3A_274 = vector.shape_cast %swap3A_273 : vector<1x16xf32> to vector<16xf32>
        %swap3A_275 = vector.shape_cast %get3A_270 : vector<16xf32> to vector<1x16xf32>
        tpu.vector_store %arg8[%swap3A_271, %swap3A_272], %swap3A_275 {strides = array<i32>} : memref<128x64xf32, #tpu.memory_space<vmem>>, vector<1x16xf32>,
        %get3A_276 = arith.index_cast %add3A_259 : i32 to index
        %get3A_277 = arith.constant 32 : index
        %get3A_278 = tpu.vector_load %arg6[%get3A_276, %get3A_277] {strides = array<i32>} : memref<128x128xf32, #tpu.memory_space<vmem>>, vector<1x16xf32>,
        %get3A_279 = vector.shape_cast %get3A_278 : vector<1x16xf32> to vector<16xf32>
        %swap3A_280 = arith.index_cast %add3A_259 : i32 to index
        %swap3A_281 = arith.constant 32 : index
        %swap3A_282 = tpu.vector_load %arg8[%swap3A_280, %swap3A_281] {strides = array<i32>} : memref<128x64xf32, #tpu.memory_space<vmem>>, vector<1x16xf32>,
        %swap3A_283 = vector.shape_cast %swap3A_282 : vector<1x16xf32> to vector<16xf32>
        %swap3A_284 = vector.shape_cast %get3A_279 : vector<16xf32> to vector<1x16xf32>
        tpu.vector_store %arg8[%swap3A_280, %swap3A_281], %swap3A_284 {strides = array<i32>} : memref<128x64xf32, #tpu.memory_space<vmem>>, vector<1x16xf32>,
        %get3A_285 = arith.index_cast %add3A_259 : i32 to index
        %get3A_286 = arith.constant 48 : index
        %get3A_287 = tpu.vector_load %arg6[%get3A_285, %get3A_286] {strides = array<i32>} : memref<128x128xf32, #tpu.memory_space<vmem>>, vector<1x16xf32>,
        %get3A_288 = vector.shape_cast %get3A_287 : vector<1x16xf32> to vector<16xf32>
        %swap3A_289 = arith.index_cast %add3A_259 : i32 to index
        %swap3A_290 = arith.constant 48 : index
        %swap3A_291 = tpu.vector_load %arg8[%swap3A_289, %swap3A_290] {strides = array<i32>} : memref<128x64xf32, #tpu.memory_space<vmem>>, vector<1x16xf32>,
        %swap3A_292 = vector.shape_cast %swap3A_291 : vector<1x16xf32> to vector<16xf32>
        %swap3A_293 = vector.shape_cast %get3A_288 : vector<16xf32> to vector<1x16xf32>
        tpu.vector_store %arg8[%swap3A_289, %swap3A_290], %swap3A_293 {strides = array<i32>} : memref<128x64xf32, #tpu.memory_space<vmem>>, vector<1x16xf32>,
      }
      %scan3A_124 = arith.constant 128 : i32
      %add3A_125 = arith.addi %mul3A_4, %add3A_111 : i32
      %jit3A_126 = arith.constant 128 : i32
      %div3A_127 = arith.divsi %add3A_125, %jit3A_126 : i32
      %sign3A_128 = arith.constant 0 : i32
      %sign3A_129 = arith.cmpi sgt, %add3A_125, %sign3A_128 : i32
      %sign3A_130 = arith.extui %sign3A_129 : i1 to i32
      %sign3A_131 = arith.constant 0 : i32
      %sign3A_132 = arith.cmpi slt, %add3A_125, %sign3A_131 : i32
      %sign3A_133 = arith.extui %sign3A_132 : i1 to i32
      %sign3A_134 = arith.subi %sign3A_130, %sign3A_133 : i32
      %sign3A_135 = arith.constant 0 : i32
      %sign3A_136 = arith.cmpi sgt, %jit3A_126, %sign3A_135 : i32
      %sign3A_137 = arith.extui %sign3A_136 : i1 to i32
      %sign3A_138 = arith.constant 0 : i32
      %sign3A_139 = arith.cmpi slt, %jit3A_126, %sign3A_138 : i32
      %sign3A_140 = arith.extui %sign3A_139 : i1 to i32
      %sign3A_141 = arith.subi %sign3A_137, %sign3A_140 : i32
      %ne3A_142 = arith.cmpi ne, %sign3A_134, %sign3A_141 : i32
      %rem3A_143 = arith.remsi %add3A_125, %jit3A_126 : i32
      %ne3A_144 = arith.constant 0 : i32
      %ne3A_145 = arith.cmpi ne, %rem3A_143, %ne3A_144 : i32
      %and3A_146 = arith.andi %ne3A_142, %ne3A_145 : i1
      %sub3A_147 = arith.constant 1 : i32
      %sub3A_148 = arith.subi %div3A_127, %sub3A_147 : i32
      %select_n3A_149 = arith.select %and3A_146, %sub3A_148, %div3A_127 : i32
      %jit3A_150 = arith.constant 128 : i32
      %eq3A_151 = arith.constant 0 : i32
      %eq3A_152 = arith.cmpi eq, %jit3A_150, %eq3A_151 : i32
      %jit3A_153 = arith.constant 1 : i32
      %select_n3A_154 = arith.select %eq3A_152, %jit3A_153, %jit3A_150 : i32
      %rem3A_155 = arith.remsi %add3A_125, %select_n3A_154 : i32
      %ne3A_156 = arith.constant 0 : i32
      %ne3A_157 = arith.cmpi ne, %rem3A_155, %ne3A_156 : i32
      %lt3A_158 = arith.constant 0 : i32
      %lt3A_159 = arith.cmpi slt, %rem3A_155, %lt3A_158 : i32
      %lt3A_160 = arith.constant 0 : i32
      %lt3A_161 = arith.cmpi slt, %select_n3A_154, %lt3A_160 : i32
      %ne3A_162 = arith.xori %lt3A_159, %lt3A_161 : i1
      %and3A_163 = arith.andi %ne3A_162, %ne3A_157 : i1
      %add3A_164 = arith.addi %rem3A_155, %select_n3A_154 : i32
      %select_n3A_165 = arith.select %and3A_163, %add3A_164, %rem3A_155 : i32
      %mul3A_166 = arith.constant 128 : i32
      %mul3A_167 = arith.muli %select_n3A_165, %mul3A_166 : i32
      %dma_start3A_168 = arith.constant 0 : i32
      %dma_start3A_169 = tpu.memref_slice %arg4[%select_n3A_149, %mul3A_167, %dma_start3A_168] : memref<20x16384x64xf32, #tpu.memory_space<hbm>> -> memref<1x128x64xf32, #tpu.memory_space<hbm>>
      %dma_start3A_170 = tpu.memref_squeeze %dma_start3A_169 : memref<1x128x64xf32, #tpu.memory_space<hbm>> -> memref<128x64xf32, #tpu.memory_space<hbm>>
      %dma_start3A_171 = arith.constant 0 : i32
      %dma_start3A_172 = tpu.memref_slice %arg4[%select_n3A_149, %mul3A_167, %dma_start3A_171] : memref<20x16384x64xf32, #tpu.memory_space<hbm>> -> memref<1x128x64xf32, #tpu.memory_space<hbm>>
      %dma_start3A_173 = tpu.memref_squeeze %dma_start3A_172 : memref<1x128x64xf32, #tpu.memory_space<hbm>> -> memref<128x64xf32, #tpu.memory_space<hbm>>
      tpu.enqueue_dma source(%arg8 : memref<128x64xf32, #tpu.memory_space<vmem>>) target(%dma_start3A_173 : memref<128x64xf32, #tpu.memory_space<hbm>>) target_semaphore(%arg12 : memref<!tpu.dma_semaphore, #tpu.memory_space<semaphore_mem>>)
      %add3A_174 = arith.constant 2 : i32
      %add3A_175 = arith.addi %add3A_111, %add3A_174 : i32
      %lt3A_176 = arith.constant 80 : i32
      %lt3A_177 = arith.cmpi slt, %add3A_175, %lt3A_176 : i32
      %convert_element_type3A_178 = arith.extui %lt3A_177 : i1 to i32
      %cond3A_179 = arith.constant 0 : i32
      %cond3A_180 = arith.cmpi ne, %convert_element_type3A_178, %cond3A_179 : i32
      scf.if %cond3A_180 {
        %add3A_255 = arith.constant 2 : i32
        %add3A_256 = arith.addi %add3A_111, %add3A_255 : i32
        %mul3A_257 = arith.constant 128 : i32
        %mul3A_258 = arith.muli %add3A_256, %mul3A_257 : i32
        %dma_start3A_259 = tpu.memref_slice %arg5[%mul3A_258] : memref<10240xi32, #tpu.memory_space<vmem>> -> memref<128xi32, #tpu.memory_space<vmem>>
        %dma_start3A_260 = arith.constant 0 : i32
        %dma_start3A_261 = arith.constant 0 : i32
        %dma_start3A_262 = tpu.memref_slice %arg2[%dma_start3A_260, %dma_start3A_261] : memref<1000002x128xf32, #tpu.memory_space<hbm>> -> memref<1000002x128xf32, #tpu.memory_space<hbm>>
        tpu.enqueue_indirect_dma source(%dma_start3A_262 : memref<1000002x128xf32, #tpu.memory_space<hbm>>) target(%arg6 : memref<128x128xf32, #tpu.memory_space<vmem>>) offsets(%dma_start3A_259 : memref<128xi32, #tpu.memory_space<vmem>>) semaphore(%arg10 : memref<!tpu.dma_semaphore, #tpu.memory_space<semaphore_mem>>)
      } else {
      }
      %add3A_181 = arith.constant 1 : i32
      %add3A_182 = arith.addi %add3A_111, %add3A_181 : i32
      %mul3A_183 = arith.constant 128 : i32
      %mul3A_184 = arith.muli %add3A_182, %mul3A_183 : i32
      %dma_wait3A_185 = tpu.memref_slice %arg5[%mul3A_184] : memref<10240xi32, #tpu.memory_space<vmem>> -> memref<128xi32, #tpu.memory_space<vmem>>
      %dma_wait3A_186 = arith.constant 0 : i32
      %dma_wait3A_187 = arith.constant 0 : i32
      %dma_wait3A_188 = tpu.memref_slice %arg2[%dma_wait3A_186, %dma_wait3A_187] : memref<1000002x128xf32, #tpu.memory_space<hbm>> -> memref<1000002x128xf32, #tpu.memory_space<hbm>>
      tpu.wait_indirect_dma semaphore(%arg11 : memref<!tpu.dma_semaphore, #tpu.memory_space<semaphore_mem>>) src(%dma_wait3A_188 : memref<1000002x128xf32, #tpu.memory_space<hbm>>) dst(%arg7 : memref<128x128xf32, #tpu.memory_space<vmem>>)
      %ge3A_189 = arith.constant 2 : i32
      %ge3A_190 = arith.cmpi sge, %add3A_182, %ge3A_189 : i32
      %convert_element_type3A_191 = arith.extui %ge3A_190 : i1 to i32
      %cond3A_192 = arith.constant 0 : i32
      %cond3A_193 = arith.cmpi ne, %convert_element_type3A_191, %cond3A_192 : i32
      scf.if %cond3A_193 {
        %sub3A_255 = arith.constant 2 : i32
        %sub3A_256 = arith.subi %add3A_182, %sub3A_255 : i32
        %add3A_257 = arith.addi %mul3A_4, %sub3A_256 : i32
        %jit3A_258 = arith.constant 128 : i32
        %div3A_259 = arith.divsi %add3A_257, %jit3A_258 : i32
        %sign3A_260 = arith.constant 0 : i32
        %sign3A_261 = arith.cmpi sgt, %add3A_257, %sign3A_260 : i32
        %sign3A_262 = arith.extui %sign3A_261 : i1 to i32
        %sign3A_263 = arith.constant 0 : i32
        %sign3A_264 = arith.cmpi slt, %add3A_257, %sign3A_263 : i32
        %sign3A_265 = arith.extui %sign3A_264 : i1 to i32
        %sign3A_266 = arith.subi %sign3A_262, %sign3A_265 : i32
        %sign3A_267 = arith.constant 0 : i32
        %sign3A_268 = arith.cmpi sgt, %jit3A_258, %sign3A_267 : i32
        %sign3A_269 = arith.extui %sign3A_268 : i1 to i32
        %sign3A_270 = arith.constant 0 : i32
        %sign3A_271 = arith.cmpi slt, %jit3A_258, %sign3A_270 : i32
        %sign3A_272 = arith.extui %sign3A_271 : i1 to i32
        %sign3A_273 = arith.subi %sign3A_269, %sign3A_272 : i32
        %ne3A_274 = arith.cmpi ne, %sign3A_266, %sign3A_273 : i32
        %rem3A_275 = arith.remsi %add3A_257, %jit3A_258 : i32
        %ne3A_276 = arith.constant 0 : i32
        %ne3A_277 = arith.cmpi ne, %rem3A_275, %ne3A_276 : i32
        %and3A_278 = arith.andi %ne3A_274, %ne3A_277 : i1
        %sub3A_279 = arith.constant 1 : i32
        %sub3A_280 = arith.subi %div3A_259, %sub3A_279 : i32
        %select_n3A_281 = arith.select %and3A_278, %sub3A_280, %div3A_259 : i32
        %jit3A_282 = arith.constant 128 : i32
        %eq3A_283 = arith.constant 0 : i32
        %eq3A_284 = arith.cmpi eq, %jit3A_282, %eq3A_283 : i32
        %jit3A_285 = arith.constant 1 : i32
        %select_n3A_286 = arith.select %eq3A_284, %jit3A_285, %jit3A_282 : i32
        %rem3A_287 = arith.remsi %add3A_257, %select_n3A_286 : i32
        %ne3A_288 = arith.constant 0 : i32
        %ne3A_289 = arith.cmpi ne, %rem3A_287, %ne3A_288 : i32
        %lt3A_290 = arith.constant 0 : i32
        %lt3A_291 = arith.cmpi slt, %rem3A_287, %lt3A_290 : i32
        %lt3A_292 = arith.constant 0 : i32
        %lt3A_293 = arith.cmpi slt, %select_n3A_286, %lt3A_292 : i32
        %ne3A_294 = arith.xori %lt3A_291, %lt3A_293 : i1
        %and3A_295 = arith.andi %ne3A_294, %ne3A_289 : i1
        %add3A_296 = arith.addi %rem3A_287, %select_n3A_286 : i32
        %select_n3A_297 = arith.select %and3A_295, %add3A_296, %rem3A_287 : i32
        %mul3A_298 = arith.constant 128 : i32
        %mul3A_299 = arith.muli %select_n3A_297, %mul3A_298 : i32
        %dma_wait3A_300 = arith.constant 0 : i32
        %dma_wait3A_301 = tpu.memref_slice %arg4[%select_n3A_281, %mul3A_299, %dma_wait3A_300] : memref<20x16384x64xf32, #tpu.memory_space<hbm>> -> memref<1x128x64xf32, #tpu.memory_space<hbm>>
        %dma_wait3A_302 = tpu.memref_squeeze %dma_wait3A_301 : memref<1x128x64xf32, #tpu.memory_space<hbm>> -> memref<128x64xf32, #tpu.memory_space<hbm>>
        %dma_wait3A_303 = arith.constant 0 : i32
        %dma_wait3A_304 = tpu.memref_slice %arg4[%select_n3A_281, %mul3A_299, %dma_wait3A_303] : memref<20x16384x64xf32, #tpu.memory_space<hbm>> -> memref<1x128x64xf32, #tpu.memory_space<hbm>>
        %dma_wait3A_305 = tpu.memref_squeeze %dma_wait3A_304 : memref<1x128x64xf32, #tpu.memory_space<hbm>> -> memref<128x64xf32, #tpu.memory_space<hbm>>
        tpu.wait_dma2 semaphore(%arg13 : memref<!tpu.dma_semaphore, #tpu.memory_space<semaphore_mem>>) src(%arg9 : memref<128x64xf32, #tpu.memory_space<vmem>>) dst(%dma_wait3A_305 : memref<128x64xf32, #tpu.memory_space<hbm>>)
      } else {
      }
      %scan3A_194 = arith.constant 0 : i32
      %scan3A_195 = arith.constant 128 : i32
      %scan3A_196 = arith.addi %scan3A_194, %scan3A_195 : i32
      %scan3A_197 = arith.constant 1 : i32
      scf.for %scan3A_255 = %scan3A_194 to %scan3A_196 step %scan3A_197  : i32 {
        %mul3A_256 = arith.constant 1 : i32
        %mul3A_257 = arith.muli %scan3A_255, %mul3A_256 : i32
        %add3A_258 = arith.constant 0 : i32
        %add3A_259 = arith.addi %add3A_258, %mul3A_257 : i32
        %get3A = arith.index_cast %add3A_259 : i32 to index
        %get3A_260 = arith.constant 0 : index
        %get3A_261 = tpu.vector_load %arg7[%get3A, %get3A_260] {strides = array<i32>} : memref<128x128xf32, #tpu.memory_space<vmem>>, vector<1x16xf32>,
        %get3A_262 = vector.shape_cast %get3A_261 : vector<1x16xf32> to vector<16xf32>
        %swap3A = arith.index_cast %add3A_259 : i32 to index
        %swap3A_263 = arith.constant 0 : index
        %swap3A_264 = tpu.vector_load %arg9[%swap3A, %swap3A_263] {strides = array<i32>} : memref<128x64xf32, #tpu.memory_space<vmem>>, vector<1x16xf32>,
        %swap3A_265 = vector.shape_cast %swap3A_264 : vector<1x16xf32> to vector<16xf32>
        %swap3A_266 = vector.shape_cast %get3A_262 : vector<16xf32> to vector<1x16xf32>
        tpu.vector_store %arg9[%swap3A, %swap3A_263], %swap3A_266 {strides = array<i32>} : memref<128x64xf32, #tpu.memory_space<vmem>>, vector<1x16xf32>,
        %get3A_267 = arith.index_cast %add3A_259 : i32 to index
        %get3A_268 = arith.constant 16 : index
        %get3A_269 = tpu.vector_load %arg7[%get3A_267, %get3A_268] {strides = array<i32>} : memref<128x128xf32, #tpu.memory_space<vmem>>, vector<1x16xf32>,
        %get3A_270 = vector.shape_cast %get3A_269 : vector<1x16xf32> to vector<16xf32>
        %swap3A_271 = arith.index_cast %add3A_259 : i32 to index
        %swap3A_272 = arith.constant 16 : index
        %swap3A_273 = tpu.vector_load %arg9[%swap3A_271, %swap3A_272] {strides = array<i32>} : memref<128x64xf32, #tpu.memory_space<vmem>>, vector<1x16xf32>,
        %swap3A_274 = vector.shape_cast %swap3A_273 : vector<1x16xf32> to vector<16xf32>
        %swap3A_275 = vector.shape_cast %get3A_270 : vector<16xf32> to vector<1x16xf32>
        tpu.vector_store %arg9[%swap3A_271, %swap3A_272], %swap3A_275 {strides = array<i32>} : memref<128x64xf32, #tpu.memory_space<vmem>>, vector<1x16xf32>,
        %get3A_276 = arith.index_cast %add3A_259 : i32 to index
        %get3A_277 = arith.constant 32 : index
        %get3A_278 = tpu.vector_load %arg7[%get3A_276, %get3A_277] {strides = array<i32>} : memref<128x128xf32, #tpu.memory_space<vmem>>, vector<1x16xf32>,
        %get3A_279 = vector.shape_cast %get3A_278 : vector<1x16xf32> to vector<16xf32>
        %swap3A_280 = arith.index_cast %add3A_259 : i32 to index
        %swap3A_281 = arith.constant 32 : index
        %swap3A_282 = tpu.vector_load %arg9[%swap3A_280, %swap3A_281] {strides = array<i32>} : memref<128x64xf32, #tpu.memory_space<vmem>>, vector<1x16xf32>,
        %swap3A_283 = vector.shape_cast %swap3A_282 : vector<1x16xf32> to vector<16xf32>
        %swap3A_284 = vector.shape_cast %get3A_279 : vector<16xf32> to vector<1x16xf32>
        tpu.vector_store %arg9[%swap3A_280, %swap3A_281], %swap3A_284 {strides = array<i32>} : memref<128x64xf32, #tpu.memory_space<vmem>>, vector<1x16xf32>,
        %get3A_285 = arith.index_cast %add3A_259 : i32 to index
        %get3A_286 = arith.constant 48 : index
        %get3A_287 = tpu.vector_load %arg7[%get3A_285, %get3A_286] {strides = array<i32>} : memref<128x128xf32, #tpu.memory_space<vmem>>, vector<1x16xf32>,
        %get3A_288 = vector.shape_cast %get3A_287 : vector<1x16xf32> to vector<16xf32>
        %swap3A_289 = arith.index_cast %add3A_259 : i32 to index
        %swap3A_290 = arith.constant 48 : index
        %swap3A_291 = tpu.vector_load %arg9[%swap3A_289, %swap3A_290] {strides = array<i32>} : memref<128x64xf32, #tpu.memory_space<vmem>>, vector<1x16xf32>,
        %swap3A_292 = vector.shape_cast %swap3A_291 : vector<1x16xf32> to vector<16xf32>
        %swap3A_293 = vector.shape_cast %get3A_288 : vector<16xf32> to vector<1x16xf32>
        tpu.vector_store %arg9[%swap3A_289, %swap3A_290], %swap3A_293 {strides = array<i32>} : memref<128x64xf32, #tpu.memory_space<vmem>>, vector<1x16xf32>,
      }
      %scan3A_198 = arith.constant 128 : i32
      %add3A_199 = arith.addi %mul3A_4, %add3A_182 : i32
      %jit3A_200 = arith.constant 128 : i32
      %div3A_201 = arith.divsi %add3A_199, %jit3A_200 : i32
      %sign3A_202 = arith.constant 0 : i32
      %sign3A_203 = arith.cmpi sgt, %add3A_199, %sign3A_202 : i32
      %sign3A_204 = arith.extui %sign3A_203 : i1 to i32
      %sign3A_205 = arith.constant 0 : i32
      %sign3A_206 = arith.cmpi slt, %add3A_199, %sign3A_205 : i32
      %sign3A_207 = arith.extui %sign3A_206 : i1 to i32
      %sign3A_208 = arith.subi %sign3A_204, %sign3A_207 : i32
      %sign3A_209 = arith.constant 0 : i32
      %sign3A_210 = arith.cmpi sgt, %jit3A_200, %sign3A_209 : i32
      %sign3A_211 = arith.extui %sign3A_210 : i1 to i32
      %sign3A_212 = arith.constant 0 : i32
      %sign3A_213 = arith.cmpi slt, %jit3A_200, %sign3A_212 : i32
      %sign3A_214 = arith.extui %sign3A_213 : i1 to i32
      %sign3A_215 = arith.subi %sign3A_211, %sign3A_214 : i32
      %ne3A_216 = arith.cmpi ne, %sign3A_208, %sign3A_215 : i32
      %rem3A_217 = arith.remsi %add3A_199, %jit3A_200 : i32
      %ne3A_218 = arith.constant 0 : i32
      %ne3A_219 = arith.cmpi ne, %rem3A_217, %ne3A_218 : i32
      %and3A_220 = arith.andi %ne3A_216, %ne3A_219 : i1
      %sub3A_221 = arith.constant 1 : i32
      %sub3A_222 = arith.subi %div3A_201, %sub3A_221 : i32
      %select_n3A_223 = arith.select %and3A_220, %sub3A_222, %div3A_201 : i32
      %jit3A_224 = arith.constant 128 : i32
      %eq3A_225 = arith.constant 0 : i32
      %eq3A_226 = arith.cmpi eq, %jit3A_224, %eq3A_225 : i32
      %jit3A_227 = arith.constant 1 : i32
      %select_n3A_228 = arith.select %eq3A_226, %jit3A_227, %jit3A_224 : i32
      %rem3A_229 = arith.remsi %add3A_199, %select_n3A_228 : i32
      %ne3A_230 = arith.constant 0 : i32
      %ne3A_231 = arith.cmpi ne, %rem3A_229, %ne3A_230 : i32
      %lt3A_232 = arith.constant 0 : i32
      %lt3A_233 = arith.cmpi slt, %rem3A_229, %lt3A_232 : i32
      %lt3A_234 = arith.constant 0 : i32
      %lt3A_235 = arith.cmpi slt, %select_n3A_228, %lt3A_234 : i32
      %ne3A_236 = arith.xori %lt3A_233, %lt3A_235 : i1
      %and3A_237 = arith.andi %ne3A_236, %ne3A_231 : i1
      %add3A_238 = arith.addi %rem3A_229, %select_n3A_228 : i32
      %select_n3A_239 = arith.select %and3A_237, %add3A_238, %rem3A_229 : i32
      %mul3A_240 = arith.constant 128 : i32
      %mul3A_241 = arith.muli %select_n3A_239, %mul3A_240 : i32
      %dma_start3A_242 = arith.constant 0 : i32
      %dma_start3A_243 = tpu.memref_slice %arg4[%select_n3A_223, %mul3A_241, %dma_start3A_242] : memref<20x16384x64xf32, #tpu.memory_space<hbm>> -> memref<1x128x64xf32, #tpu.memory_space<hbm>>
      %dma_start3A_244 = tpu.memref_squeeze %dma_start3A_243 : memref<1x128x64xf32, #tpu.memory_space<hbm>> -> memref<128x64xf32, #tpu.memory_space<hbm>>
      %dma_start3A_245 = arith.constant 0 : i32
      %dma_start3A_246 = tpu.memref_slice %arg4[%select_n3A_223, %mul3A_241, %dma_start3A_245] : memref<20x16384x64xf32, #tpu.memory_space<hbm>> -> memref<1x128x64xf32, #tpu.memory_space<hbm>>
      %dma_start3A_247 = tpu.memref_squeeze %dma_start3A_246 : memref<1x128x64xf32, #tpu.memory_space<hbm>> -> memref<128x64xf32, #tpu.memory_space<hbm>>
      tpu.enqueue_dma source(%arg9 : memref<128x64xf32, #tpu.memory_space<vmem>>) target(%dma_start3A_247 : memref<128x64xf32, #tpu.memory_space<hbm>>) target_semaphore(%arg13 : memref<!tpu.dma_semaphore, #tpu.memory_space<semaphore_mem>>)
      %add3A_248 = arith.constant 2 : i32
      %add3A_249 = arith.addi %add3A_182, %add3A_248 : i32
      %lt3A_250 = arith.constant 80 : i32
      %lt3A_251 = arith.cmpi slt, %add3A_249, %lt3A_250 : i32
      %convert_element_type3A_252 = arith.extui %lt3A_251 : i1 to i32
      %cond3A_253 = arith.constant 0 : i32
      %cond3A_254 = arith.cmpi ne, %convert_element_type3A_252, %cond3A_253 : i32
      scf.if %cond3A_254 {
        %add3A_255 = arith.constant 2 : i32
        %add3A_256 = arith.addi %add3A_182, %add3A_255 : i32
        %mul3A_257 = arith.constant 128 : i32
        %mul3A_258 = arith.muli %add3A_256, %mul3A_257 : i32
        %dma_start3A_259 = tpu.memref_slice %arg5[%mul3A_258] : memref<10240xi32, #tpu.memory_space<vmem>> -> memref<128xi32, #tpu.memory_space<vmem>>
        %dma_start3A_260 = arith.constant 0 : i32
        %dma_start3A_261 = arith.constant 0 : i32
        %dma_start3A_262 = tpu.memref_slice %arg2[%dma_start3A_260, %dma_start3A_261] : memref<1000002x128xf32, #tpu.memory_space<hbm>> -> memref<1000002x128xf32, #tpu.memory_space<hbm>>
        tpu.enqueue_indirect_dma source(%dma_start3A_262 : memref<1000002x128xf32, #tpu.memory_space<hbm>>) target(%arg7 : memref<128x128xf32, #tpu.memory_space<vmem>>) offsets(%dma_start3A_259 : memref<128xi32, #tpu.memory_space<vmem>>) semaphore(%arg11 : memref<!tpu.dma_semaphore, #tpu.memory_space<semaphore_mem>>)
      } else {
      }
    }
    %scan3A_17 = arith.constant 40 : i32
    %add3A_18 = arith.constant 78 : i32
    %add3A_19 = arith.addi %mul3A_4, %add3A_18 : i32
    %jit3A = arith.constant 128 : i32
    %div3A = arith.divsi %add3A_19, %jit3A : i32
    %sign3A = arith.constant 0 : i32
    %sign3A_20 = arith.cmpi sgt, %add3A_19, %sign3A : i32
    %sign3A_21 = arith.extui %sign3A_20 : i1 to i32
    %sign3A_22 = arith.constant 0 : i32
    %sign3A_23 = arith.cmpi slt, %add3A_19, %sign3A_22 : i32
    %sign3A_24 = arith.extui %sign3A_23 : i1 to i32
    %sign3A_25 = arith.subi %sign3A_21, %sign3A_24 : i32
    %sign3A_26 = arith.constant 0 : i32
    %sign3A_27 = arith.cmpi sgt, %jit3A, %sign3A_26 : i32
    %sign3A_28 = arith.extui %sign3A_27 : i1 to i32
    %sign3A_29 = arith.constant 0 : i32
    %sign3A_30 = arith.cmpi slt, %jit3A, %sign3A_29 : i32
    %sign3A_31 = arith.extui %sign3A_30 : i1 to i32
    %sign3A_32 = arith.subi %sign3A_28, %sign3A_31 : i32
    %ne3A = arith.cmpi ne, %sign3A_25, %sign3A_32 : i32
    %rem3A = arith.remsi %add3A_19, %jit3A : i32
    %ne3A_33 = arith.constant 0 : i32
    %ne3A_34 = arith.cmpi ne, %rem3A, %ne3A_33 : i32
    %and3A = arith.andi %ne3A, %ne3A_34 : i1
    %sub3A = arith.constant 1 : i32
    %sub3A_35 = arith.subi %div3A, %sub3A : i32
    %select_n3A = arith.select %and3A, %sub3A_35, %div3A : i32
    %jit3A_36 = arith.constant 128 : i32
    %eq3A = arith.constant 0 : i32
    %eq3A_37 = arith.cmpi eq, %jit3A_36, %eq3A : i32
    %jit3A_38 = arith.constant 1 : i32
    %select_n3A_39 = arith.select %eq3A_37, %jit3A_38, %jit3A_36 : i32
    %rem3A_40 = arith.remsi %add3A_19, %select_n3A_39 : i32
    %ne3A_41 = arith.constant 0 : i32
    %ne3A_42 = arith.cmpi ne, %rem3A_40, %ne3A_41 : i32
    %lt3A = arith.constant 0 : i32
    %lt3A_43 = arith.cmpi slt, %rem3A_40, %lt3A : i32
    %lt3A_44 = arith.constant 0 : i32
    %lt3A_45 = arith.cmpi slt, %select_n3A_39, %lt3A_44 : i32
    %ne3A_46 = arith.xori %lt3A_43, %lt3A_45 : i1
    %and3A_47 = arith.andi %ne3A_46, %ne3A_42 : i1
    %add3A_48 = arith.addi %rem3A_40, %select_n3A_39 : i32
    %select_n3A_49 = arith.select %and3A_47, %add3A_48, %rem3A_40 : i32
    %mul3A_50 = arith.constant 128 : i32
    %mul3A_51 = arith.muli %select_n3A_49, %mul3A_50 : i32
    %dma_wait3A = arith.constant 0 : i32
    %dma_wait3A_52 = tpu.memref_slice %arg4[%select_n3A, %mul3A_51, %dma_wait3A] : memref<20x16384x64xf32, #tpu.memory_space<hbm>> -> memref<1x128x64xf32, #tpu.memory_space<hbm>>
    %dma_wait3A_53 = tpu.memref_squeeze %dma_wait3A_52 : memref<1x128x64xf32, #tpu.memory_space<hbm>> -> memref<128x64xf32, #tpu.memory_space<hbm>>
    %dma_wait3A_54 = arith.constant 0 : i32
    %dma_wait3A_55 = tpu.memref_slice %arg4[%select_n3A, %mul3A_51, %dma_wait3A_54] : memref<20x16384x64xf32, #tpu.memory_space<hbm>> -> memref<1x128x64xf32, #tpu.memory_space<hbm>>
    %dma_wait3A_56 = tpu.memref_squeeze %dma_wait3A_55 : memref<1x128x64xf32, #tpu.memory_space<hbm>> -> memref<128x64xf32, #tpu.memory_space<hbm>>
    tpu.wait_dma2 semaphore(%arg12 : memref<!tpu.dma_semaphore, #tpu.memory_space<semaphore_mem>>) src(%arg8 : memref<128x64xf32, #tpu.memory_space<vmem>>) dst(%dma_wait3A_56 : memref<128x64xf32, #tpu.memory_space<hbm>>)
    %add3A_57 = arith.constant 79 : i32
    %add3A_58 = arith.addi %mul3A_4, %add3A_57 : i32
    %jit3A_59 = arith.constant 128 : i32
    %div3A_60 = arith.divsi %add3A_58, %jit3A_59 : i32
    %sign3A_61 = arith.constant 0 : i32
    %sign3A_62 = arith.cmpi sgt, %add3A_58, %sign3A_61 : i32
    %sign3A_63 = arith.extui %sign3A_62 : i1 to i32
    %sign3A_64 = arith.constant 0 : i32
    %sign3A_65 = arith.cmpi slt, %add3A_58, %sign3A_64 : i32
    %sign3A_66 = arith.extui %sign3A_65 : i1 to i32
    %sign3A_67 = arith.subi %sign3A_63, %sign3A_66 : i32
    %sign3A_68 = arith.constant 0 : i32
    %sign3A_69 = arith.cmpi sgt, %jit3A_59, %sign3A_68 : i32
    %sign3A_70 = arith.extui %sign3A_69 : i1 to i32
    %sign3A_71 = arith.constant 0 : i32
    %sign3A_72 = arith.cmpi slt, %jit3A_59, %sign3A_71 : i32
    %sign3A_73 = arith.extui %sign3A_72 : i1 to i32
    %sign3A_74 = arith.subi %sign3A_70, %sign3A_73 : i32
    %ne3A_75 = arith.cmpi ne, %sign3A_67, %sign3A_74 : i32
    %rem3A_76 = arith.remsi %add3A_58, %jit3A_59 : i32
    %ne3A_77 = arith.constant 0 : i32
    %ne3A_78 = arith.cmpi ne, %rem3A_76, %ne3A_77 : i32
    %and3A_79 = arith.andi %ne3A_75, %ne3A_78 : i1
    %sub3A_80 = arith.constant 1 : i32
    %sub3A_81 = arith.subi %div3A_60, %sub3A_80 : i32
    %select_n3A_82 = arith.select %and3A_79, %sub3A_81, %div3A_60 : i32
    %jit3A_83 = arith.constant 128 : i32
    %eq3A_84 = arith.constant 0 : i32
    %eq3A_85 = arith.cmpi eq, %jit3A_83, %eq3A_84 : i32
    %jit3A_86 = arith.constant 1 : i32
    %select_n3A_87 = arith.select %eq3A_85, %jit3A_86, %jit3A_83 : i32
    %rem3A_88 = arith.remsi %add3A_58, %select_n3A_87 : i32
    %ne3A_89 = arith.constant 0 : i32
    %ne3A_90 = arith.cmpi ne, %rem3A_88, %ne3A_89 : i32
    %lt3A_91 = arith.constant 0 : i32
    %lt3A_92 = arith.cmpi slt, %rem3A_88, %lt3A_91 : i32
    %lt3A_93 = arith.constant 0 : i32
    %lt3A_94 = arith.cmpi slt, %select_n3A_87, %lt3A_93 : i32
    %ne3A_95 = arith.xori %lt3A_92, %lt3A_94 : i1
    %and3A_96 = arith.andi %ne3A_95, %ne3A_90 : i1
    %add3A_97 = arith.addi %rem3A_88, %select_n3A_87 : i32
    %select_n3A_98 = arith.select %and3A_96, %add3A_97, %rem3A_88 : i32
    %mul3A_99 = arith.constant 128 : i32
    %mul3A_100 = arith.muli %select_n3A_98, %mul3A_99 : i32
    %dma_wait3A_101 = arith.constant 0 : i32
    %dma_wait3A_102 = tpu.memref_slice %arg4[%select_n3A_82, %mul3A_100, %dma_wait3A_101] : memref<20x16384x64xf32, #tpu.memory_space<hbm>> -> memref<1x128x64xf32, #tpu.memory_space<hbm>>
    %dma_wait3A_103 = tpu.memref_squeeze %dma_wait3A_102 : memref<1x128x64xf32, #tpu.memory_space<hbm>> -> memref<128x64xf32, #tpu.memory_space<hbm>>
    %dma_wait3A_104 = arith.constant 0 : i32
    %dma_wait3A_105 = tpu.memref_slice %arg4[%select_n3A_82, %mul3A_100, %dma_wait3A_104] : memref<20x16384x64xf32, #tpu.memory_space<hbm>> -> memref<1x128x64xf32, #tpu.memory_space<hbm>>
    %dma_wait3A_106 = tpu.memref_squeeze %dma_wait3A_105 : memref<1x128x64xf32, #tpu.memory_space<hbm>> -> memref<128x64xf32, #tpu.memory_space<hbm>>
    tpu.wait_dma2 semaphore(%arg13 : memref<!tpu.dma_semaphore, #tpu.memory_space<semaphore_mem>>) src(%arg9 : memref<128x64xf32, #tpu.memory_space<vmem>>) dst(%dma_wait3A_106 : memref<128x64xf32, #tpu.memory_space<hbm>>)
    return
  }
}

#map = affine_map<(d0, d1) -> (0, 0)>
#map1 = affine_map<(d0, d1) -> (0)>
#map2 = affine_map<(d0, d1) -> (0, 0, 0)>
module attributes {stable_mosaic.version = 14 : i64} {
  func.func @gather_kernel(%arg0: i32, %arg1: i32, %arg2: memref<1000002x128xf32, #tpu.memory_space<hbm>>, %arg3: memref<327680xi32, #tpu.memory_space<hbm>>, %arg4: memref<20x16384x64xf32, #tpu.memory_space<hbm>>, %arg5: memref<10240xi32, #tpu.memory_space<vmem>>, %arg6: memref<128x128xf32, #tpu.memory_space<vmem>>, %arg7: memref<128x128xf32, #tpu.memory_space<vmem>>, %arg8: memref<128x64xf32, #tpu.memory_space<vmem>>, %arg9: memref<128x64xf32, #tpu.memory_space<vmem>>, %arg10: memref<!tpu.dma_semaphore, #tpu.memory_space<semaphore_mem>>, %arg11: memref<!tpu.dma_semaphore, #tpu.memory_space<semaphore_mem>>, %arg12: memref<!tpu.dma_semaphore, #tpu.memory_space<semaphore_mem>>, %arg13: memref<!tpu.dma_semaphore, #tpu.memory_space<semaphore_mem>>) attributes {dimension_semantics = [#tpu.dimension_semantics<core_parallel>, #tpu.dimension_semantics<subcore_parallel>], iteration_bounds = array<i64: 2, 16>, scalar_prefetch = 0 : i64, scratch_operands = 9 : i64, tpu.core_type = #tpu.core_type<sc_vector_subcore>, window_params = [{transform_indices = #map}, {transform_indices = #map1}, {transform_indices = #map2}]} {
    %mul3A = arith.constant 16 : i32
    %mul3A_0 = arith.muli %arg0, %mul3A : i32
    %add3A = arith.addi %mul3A_0, %arg1 : i32
    %mul3A_1 = arith.constant 10240 : i32
    %mul3A_2 = arith.muli %add3A, %mul3A_1 : i32
    %mul3A_3 = arith.constant 80 : i32
    %mul3A_4 = arith.muli %add3A, %mul3A_3 : i32
    "tpu.region"() ({
      %run_scoped3A = tpu.sem_alloc : memref<!tpu.dma_semaphore, #tpu.memory_space<semaphore_mem>>
      %dma_start3A_107 = tpu.memref_slice %arg3[%mul3A_2] : memref<327680xi32, #tpu.memory_space<hbm>> -> memref<10240xi32, #tpu.memory_space<hbm>>
      %dma_start3A_108 = tpu.memref_slice %arg3[%mul3A_2] : memref<327680xi32, #tpu.memory_space<hbm>> -> memref<10240xi32, #tpu.memory_space<hbm>>
      tpu.enqueue_dma source(%dma_start3A_108 : memref<10240xi32, #tpu.memory_space<hbm>>) target(%arg5 : memref<10240xi32, #tpu.memory_space<vmem>>) target_semaphore(%run_scoped3A : memref<!tpu.dma_semaphore, #tpu.memory_space<semaphore_mem>>)
      %dma_wait3A_109 = tpu.memref_slice %arg3[%mul3A_2] : memref<327680xi32, #tpu.memory_space<hbm>> -> memref<10240xi32, #tpu.memory_space<hbm>>
      %dma_wait3A_110 = tpu.memref_slice %arg3[%mul3A_2] : memref<327680xi32, #tpu.memory_space<hbm>> -> memref<10240xi32, #tpu.memory_space<hbm>>
      tpu.wait_dma2 semaphore(%run_scoped3A : memref<!tpu.dma_semaphore, #tpu.memory_space<semaphore_mem>>) src(%dma_wait3A_110 : memref<10240xi32, #tpu.memory_space<hbm>>) dst(%arg5 : memref<10240xi32, #tpu.memory_space<vmem>>)
      tpu.yield
    }) : () -> ()
    %dma_start3A = arith.constant 0 : i32
    %dma_start3A_5 = tpu.memref_slice %arg5[%dma_start3A] : memref<10240xi32, #tpu.memory_space<vmem>> -> memref<128xi32, #tpu.memory_space<vmem>>
    %dma_start3A_6 = arith.constant 0 : i32
    %dma_start3A_7 = arith.constant 0 : i32
    %dma_start3A_8 = tpu.memref_slice %arg2[%dma_start3A_6, %dma_start3A_7] : memref<1000002x128xf32, #tpu.memory_space<hbm>> -> memref<1000002x128xf32, #tpu.memory_space<hbm>>
    tpu.enqueue_indirect_dma source(%dma_start3A_8 : memref<1000002x128xf32, #tpu.memory_space<hbm>>) target(%arg6 : memref<128x128xf32, #tpu.memory_space<vmem>>) offsets(%dma_start3A_5 : memref<128xi32, #tpu.memory_space<vmem>>) semaphore(%arg10 : memref<!tpu.dma_semaphore, #tpu.memory_space<semaphore_mem>>)
    %dma_start3A_9 = arith.constant 128 : i32
    %dma_start3A_10 = tpu.memref_slice %arg5[%dma_start3A_9] : memref<10240xi32, #tpu.memory_space<vmem>> -> memref<128xi32, #tpu.memory_space<vmem>>
    %dma_start3A_11 = arith.constant 0 : i32
    %dma_start3A_12 = arith.constant 0 : i32
    %dma_start3A_13 = tpu.memref_slice %arg2[%dma_start3A_11, %dma_start3A_12] : memref<1000002x128xf32, #tpu.memory_space<hbm>> -> memref<1000002x128xf32, #tpu.memory_space<hbm>>
    tpu.enqueue_indirect_dma source(%dma_start3A_13 : memref<1000002x128xf32, #tpu.memory_space<hbm>>) target(%arg7 : memref<128x128xf32, #tpu.memory_space<vmem>>) offsets(%dma_start3A_10 : memref<128xi32, #tpu.memory_space<vmem>>) semaphore(%arg11 : memref<!tpu.dma_semaphore, #tpu.memory_space<semaphore_mem>>)
    %scan3A = arith.constant 0 : i32
    %scan3A_14 = arith.constant 40 : i32
    %scan3A_15 = arith.addi %scan3A, %scan3A_14 : i32
    %scan3A_16 = arith.constant 1 : i32
    scf.for %scan3A_107 = %scan3A to %scan3A_15 step %scan3A_16  : i32 {
      %mul3A_108 = arith.constant 2 : i32
      %mul3A_109 = arith.muli %scan3A_107, %mul3A_108 : i32
      %add3A_110 = arith.constant 0 : i32
      %add3A_111 = arith.addi %add3A_110, %mul3A_109 : i32
      %mul3A_112 = arith.constant 128 : i32
      %mul3A_113 = arith.muli %add3A_111, %mul3A_112 : i32
      %dma_wait3A_114 = tpu.memref_slice %arg5[%mul3A_113] : memref<10240xi32, #tpu.memory_space<vmem>> -> memref<128xi32, #tpu.memory_space<vmem>>
      %dma_wait3A_115 = arith.constant 0 : i32
      %dma_wait3A_116 = arith.constant 0 : i32
      %dma_wait3A_117 = tpu.memref_slice %arg2[%dma_wait3A_115, %dma_wait3A_116] : memref<1000002x128xf32, #tpu.memory_space<hbm>> -> memref<1000002x128xf32, #tpu.memory_space<hbm>>
      tpu.wait_indirect_dma semaphore(%arg10 : memref<!tpu.dma_semaphore, #tpu.memory_space<semaphore_mem>>) src(%dma_wait3A_117 : memref<1000002x128xf32, #tpu.memory_space<hbm>>) dst(%arg6 : memref<128x128xf32, #tpu.memory_space<vmem>>)
      %ge3A = arith.constant 2 : i32
      %ge3A_118 = arith.cmpi sge, %add3A_111, %ge3A : i32
      %convert_element_type3A = arith.extui %ge3A_118 : i1 to i32
      %cond3A = arith.constant 0 : i32
      %cond3A_119 = arith.cmpi ne, %convert_element_type3A, %cond3A : i32
      scf.if %cond3A_119 {
        %sub3A_255 = arith.constant 2 : i32
        %sub3A_256 = arith.subi %add3A_111, %sub3A_255 : i32
        %add3A_257 = arith.addi %mul3A_4, %sub3A_256 : i32
        %jit3A_258 = arith.constant 128 : i32
        %div3A_259 = arith.divsi %add3A_257, %jit3A_258 : i32
        %sign3A_260 = arith.constant 0 : i32
        %sign3A_261 = arith.cmpi sgt, %add3A_257, %sign3A_260 : i32
        %sign3A_262 = arith.extui %sign3A_261 : i1 to i32
        %sign3A_263 = arith.constant 0 : i32
        %sign3A_264 = arith.cmpi slt, %add3A_257, %sign3A_263 : i32
        %sign3A_265 = arith.extui %sign3A_264 : i1 to i32
        %sign3A_266 = arith.subi %sign3A_262, %sign3A_265 : i32
        %sign3A_267 = arith.constant 0 : i32
        %sign3A_268 = arith.cmpi sgt, %jit3A_258, %sign3A_267 : i32
        %sign3A_269 = arith.extui %sign3A_268 : i1 to i32
        %sign3A_270 = arith.constant 0 : i32
        %sign3A_271 = arith.cmpi slt, %jit3A_258, %sign3A_270 : i32
        %sign3A_272 = arith.extui %sign3A_271 : i1 to i32
        %sign3A_273 = arith.subi %sign3A_269, %sign3A_272 : i32
        %ne3A_274 = arith.cmpi ne, %sign3A_266, %sign3A_273 : i32
        %rem3A_275 = arith.remsi %add3A_257, %jit3A_258 : i32
        %ne3A_276 = arith.constant 0 : i32
        %ne3A_277 = arith.cmpi ne, %rem3A_275, %ne3A_276 : i32
        %and3A_278 = arith.andi %ne3A_274, %ne3A_277 : i1
        %sub3A_279 = arith.constant 1 : i32
        %sub3A_280 = arith.subi %div3A_259, %sub3A_279 : i32
        %select_n3A_281 = arith.select %and3A_278, %sub3A_280, %div3A_259 : i32
        %jit3A_282 = arith.constant 128 : i32
        %eq3A_283 = arith.constant 0 : i32
        %eq3A_284 = arith.cmpi eq, %jit3A_282, %eq3A_283 : i32
        %jit3A_285 = arith.constant 1 : i32
        %select_n3A_286 = arith.select %eq3A_284, %jit3A_285, %jit3A_282 : i32
        %rem3A_287 = arith.remsi %add3A_257, %select_n3A_286 : i32
        %ne3A_288 = arith.constant 0 : i32
        %ne3A_289 = arith.cmpi ne, %rem3A_287, %ne3A_288 : i32
        %lt3A_290 = arith.constant 0 : i32
        %lt3A_291 = arith.cmpi slt, %rem3A_287, %lt3A_290 : i32
        %lt3A_292 = arith.constant 0 : i32
        %lt3A_293 = arith.cmpi slt, %select_n3A_286, %lt3A_292 : i32
        %ne3A_294 = arith.xori %lt3A_291, %lt3A_293 : i1
        %and3A_295 = arith.andi %ne3A_294, %ne3A_289 : i1
        %add3A_296 = arith.addi %rem3A_287, %select_n3A_286 : i32
        %select_n3A_297 = arith.select %and3A_295, %add3A_296, %rem3A_287 : i32
        %mul3A_298 = arith.constant 128 : i32
        %mul3A_299 = arith.muli %select_n3A_297, %mul3A_298 : i32
        %dma_wait3A_300 = arith.constant 0 : i32
        %dma_wait3A_301 = tpu.memref_slice %arg4[%select_n3A_281, %mul3A_299, %dma_wait3A_300] : memref<20x16384x64xf32, #tpu.memory_space<hbm>> -> memref<1x128x64xf32, #tpu.memory_space<hbm>>
        %dma_wait3A_302 = tpu.memref_squeeze %dma_wait3A_301 : memref<1x128x64xf32, #tpu.memory_space<hbm>> -> memref<128x64xf32, #tpu.memory_space<hbm>>
        %dma_wait3A_303 = arith.constant 0 : i32
        %dma_wait3A_304 = tpu.memref_slice %arg4[%select_n3A_281, %mul3A_299, %dma_wait3A_303] : memref<20x16384x64xf32, #tpu.memory_space<hbm>> -> memref<1x128x64xf32, #tpu.memory_space<hbm>>
        %dma_wait3A_305 = tpu.memref_squeeze %dma_wait3A_304 : memref<1x128x64xf32, #tpu.memory_space<hbm>> -> memref<128x64xf32, #tpu.memory_space<hbm>>
        tpu.wait_dma2 semaphore(%arg12 : memref<!tpu.dma_semaphore, #tpu.memory_space<semaphore_mem>>) src(%arg8 : memref<128x64xf32, #tpu.memory_space<vmem>>) dst(%dma_wait3A_305 : memref<128x64xf32, #tpu.memory_space<hbm>>)
      } else {
      }
      %scan3A_120 = arith.constant 0 : i32
      %scan3A_121 = arith.constant 128 : i32
      %scan3A_122 = arith.addi %scan3A_120, %scan3A_121 : i32
      %scan3A_123 = arith.constant 1 : i32
      scf.for %scan3A_255 = %scan3A_120 to %scan3A_122 step %scan3A_123  : i32 {
        %mul3A_256 = arith.constant 1 : i32
        %mul3A_257 = arith.muli %scan3A_255, %mul3A_256 : i32
        %add3A_258 = arith.constant 0 : i32
        %add3A_259 = arith.addi %add3A_258, %mul3A_257 : i32
        %get3A = arith.index_cast %add3A_259 : i32 to index
        %get3A_260 = arith.constant 0 : index
        %get3A_261 = tpu.vector_load %arg6[%get3A, %get3A_260] {strides = array<i32>} : memref<128x128xf32, #tpu.memory_space<vmem>>, vector<1x16xf32>,
        %get3A_262 = vector.shape_cast %get3A_261 : vector<1x16xf32> to vector<16xf32>
        %swap3A = arith.index_cast %add3A_259 : i32 to index
        %swap3A_263 = arith.constant 0 : index
        %swap3A_264 = tpu.vector_load %arg8[%swap3A, %swap3A_263] {strides = array<i32>} : memref<128x64xf32, #tpu.memory_space<vmem>>, vector<1x16xf32>,
        %swap3A_265 = vector.shape_cast %swap3A_264 : vector<1x16xf32> to vector<16xf32>
        %swap3A_266 = vector.shape_cast %get3A_262 : vector<16xf32> to vector<1x16xf32>
        tpu.vector_store %arg8[%swap3A, %swap3A_263], %swap3A_266 {strides = array<i32>} : memref<128x64xf32, #tpu.memory_space<vmem>>, vector<1x16xf32>,
        %get3A_267 = arith.index_cast %add3A_259 : i32 to index
        %get3A_268 = arith.constant 16 : index
        %get3A_269 = tpu.vector_load %arg6[%get3A_267, %get3A_268] {strides = array<i32>} : memref<128x128xf32, #tpu.memory_space<vmem>>, vector<1x16xf32>,
        %get3A_270 = vector.shape_cast %get3A_269 : vector<1x16xf32> to vector<16xf32>
        %swap3A_271 = arith.index_cast %add3A_259 : i32 to index
        %swap3A_272 = arith.constant 16 : index
        %swap3A_273 = tpu.vector_load %arg8[%swap3A_271, %swap3A_272] {strides = array<i32>} : memref<128x64xf32, #tpu.memory_space<vmem>>, vector<1x16xf32>,
        %swap3A_274 = vector.shape_cast %swap3A_273 : vector<1x16xf32> to vector<16xf32>
        %swap3A_275 = vector.shape_cast %get3A_270 : vector<16xf32> to vector<1x16xf32>
        tpu.vector_store %arg8[%swap3A_271, %swap3A_272], %swap3A_275 {strides = array<i32>} : memref<128x64xf32, #tpu.memory_space<vmem>>, vector<1x16xf32>,
        %get3A_276 = arith.index_cast %add3A_259 : i32 to index
        %get3A_277 = arith.constant 32 : index
        %get3A_278 = tpu.vector_load %arg6[%get3A_276, %get3A_277] {strides = array<i32>} : memref<128x128xf32, #tpu.memory_space<vmem>>, vector<1x16xf32>,
        %get3A_279 = vector.shape_cast %get3A_278 : vector<1x16xf32> to vector<16xf32>
        %swap3A_280 = arith.index_cast %add3A_259 : i32 to index
        %swap3A_281 = arith.constant 32 : index
        %swap3A_282 = tpu.vector_load %arg8[%swap3A_280, %swap3A_281] {strides = array<i32>} : memref<128x64xf32, #tpu.memory_space<vmem>>, vector<1x16xf32>,
        %swap3A_283 = vector.shape_cast %swap3A_282 : vector<1x16xf32> to vector<16xf32>
        %swap3A_284 = vector.shape_cast %get3A_279 : vector<16xf32> to vector<1x16xf32>
        tpu.vector_store %arg8[%swap3A_280, %swap3A_281], %swap3A_284 {strides = array<i32>} : memref<128x64xf32, #tpu.memory_space<vmem>>, vector<1x16xf32>,
        %get3A_285 = arith.index_cast %add3A_259 : i32 to index
        %get3A_286 = arith.constant 48 : index
        %get3A_287 = tpu.vector_load %arg6[%get3A_285, %get3A_286] {strides = array<i32>} : memref<128x128xf32, #tpu.memory_space<vmem>>, vector<1x16xf32>,
        %get3A_288 = vector.shape_cast %get3A_287 : vector<1x16xf32> to vector<16xf32>
        %swap3A_289 = arith.index_cast %add3A_259 : i32 to index
        %swap3A_290 = arith.constant 48 : index
        %swap3A_291 = tpu.vector_load %arg8[%swap3A_289, %swap3A_290] {strides = array<i32>} : memref<128x64xf32, #tpu.memory_space<vmem>>, vector<1x16xf32>,
        %swap3A_292 = vector.shape_cast %swap3A_291 : vector<1x16xf32> to vector<16xf32>
        %swap3A_293 = vector.shape_cast %get3A_288 : vector<16xf32> to vector<1x16xf32>
        tpu.vector_store %arg8[%swap3A_289, %swap3A_290], %swap3A_293 {strides = array<i32>} : memref<128x64xf32, #tpu.memory_space<vmem>>, vector<1x16xf32>,
      }
      %scan3A_124 = arith.constant 128 : i32
      %add3A_125 = arith.addi %mul3A_4, %add3A_111 : i32
      %jit3A_126 = arith.constant 128 : i32
      %div3A_127 = arith.divsi %add3A_125, %jit3A_126 : i32
      %sign3A_128 = arith.constant 0 : i32
      %sign3A_129 = arith.cmpi sgt, %add3A_125, %sign3A_128 : i32
      %sign3A_130 = arith.extui %sign3A_129 : i1 to i32
      %sign3A_131 = arith.constant 0 : i32
      %sign3A_132 = arith.cmpi slt, %add3A_125, %sign3A_131 : i32
      %sign3A_133 = arith.extui %sign3A_132 : i1 to i32
      %sign3A_134 = arith.subi %sign3A_130, %sign3A_133 : i32
      %sign3A_135 = arith.constant 0 : i32
      %sign3A_136 = arith.cmpi sgt, %jit3A_126, %sign3A_135 : i32
      %sign3A_137 = arith.extui %sign3A_136 : i1 to i32
      %sign3A_138 = arith.constant 0 : i32
      %sign3A_139 = arith.cmpi slt, %jit3A_126, %sign3A_138 : i32
      %sign3A_140 = arith.extui %sign3A_139 : i1 to i32
      %sign3A_141 = arith.subi %sign3A_137, %sign3A_140 : i32
      %ne3A_142 = arith.cmpi ne, %sign3A_134, %sign3A_141 : i32
      %rem3A_143 = arith.remsi %add3A_125, %jit3A_126 : i32
      %ne3A_144 = arith.constant 0 : i32
      %ne3A_145 = arith.cmpi ne, %rem3A_143, %ne3A_144 : i32
      %and3A_146 = arith.andi %ne3A_142, %ne3A_145 : i1
      %sub3A_147 = arith.constant 1 : i32
      %sub3A_148 = arith.subi %div3A_127, %sub3A_147 : i32
      %select_n3A_149 = arith.select %and3A_146, %sub3A_148, %div3A_127 : i32
      %jit3A_150 = arith.constant 128 : i32
      %eq3A_151 = arith.constant 0 : i32
      %eq3A_152 = arith.cmpi eq, %jit3A_150, %eq3A_151 : i32
      %jit3A_153 = arith.constant 1 : i32
      %select_n3A_154 = arith.select %eq3A_152, %jit3A_153, %jit3A_150 : i32
      %rem3A_155 = arith.remsi %add3A_125, %select_n3A_154 : i32
      %ne3A_156 = arith.constant 0 : i32
      %ne3A_157 = arith.cmpi ne, %rem3A_155, %ne3A_156 : i32
      %lt3A_158 = arith.constant 0 : i32
      %lt3A_159 = arith.cmpi slt, %rem3A_155, %lt3A_158 : i32
      %lt3A_160 = arith.constant 0 : i32
      %lt3A_161 = arith.cmpi slt, %select_n3A_154, %lt3A_160 : i32
      %ne3A_162 = arith.xori %lt3A_159, %lt3A_161 : i1
      %and3A_163 = arith.andi %ne3A_162, %ne3A_157 : i1
      %add3A_164 = arith.addi %rem3A_155, %select_n3A_154 : i32
      %select_n3A_165 = arith.select %and3A_163, %add3A_164, %rem3A_155 : i32
      %mul3A_166 = arith.constant 128 : i32
      %mul3A_167 = arith.muli %select_n3A_165, %mul3A_166 : i32
      %dma_start3A_168 = arith.constant 0 : i32
      %dma_start3A_169 = tpu.memref_slice %arg4[%select_n3A_149, %mul3A_167, %dma_start3A_168] : memref<20x16384x64xf32, #tpu.memory_space<hbm>> -> memref<1x128x64xf32, #tpu.memory_space<hbm>>
      %dma_start3A_170 = tpu.memref_squeeze %dma_start3A_169 : memref<1x128x64xf32, #tpu.memory_space<hbm>> -> memref<128x64xf32, #tpu.memory_space<hbm>>
      %dma_start3A_171 = arith.constant 0 : i32
      %dma_start3A_172 = tpu.memref_slice %arg4[%select_n3A_149, %mul3A_167, %dma_start3A_171] : memref<20x16384x64xf32, #tpu.memory_space<hbm>> -> memref<1x128x64xf32, #tpu.memory_space<hbm>>
      %dma_start3A_173 = tpu.memref_squeeze %dma_start3A_172 : memref<1x128x64xf32, #tpu.memory_space<hbm>> -> memref<128x64xf32, #tpu.memory_space<hbm>>
      tpu.enqueue_dma source(%arg8 : memref<128x64xf32, #tpu.memory_space<vmem>>) target(%dma_start3A_173 : memref<128x64xf32, #tpu.memory_space<hbm>>) target_semaphore(%arg12 : memref<!tpu.dma_semaphore, #tpu.memory_space<semaphore_mem>>)
      %add3A_174 = arith.constant 2 : i32
      %add3A_175 = arith.addi %add3A_111, %add3A_174 : i32
      %lt3A_176 = arith.constant 80 : i32
      %lt3A_177 = arith.cmpi slt, %add3A_175, %lt3A_176 : i32
      %convert_element_type3A_178 = arith.extui %lt3A_177 : i1 to i32
      %cond3A_179 = arith.constant 0 : i32
      %cond3A_180 = arith.cmpi ne, %convert_element_type3A_178, %cond3A_179 : i32
      scf.if %cond3A_180 {
        %add3A_255 = arith.constant 2 : i32
        %add3A_256 = arith.addi %add3A_111, %add3A_255 : i32
        %mul3A_257 = arith.constant 128 : i32
        %mul3A_258 = arith.muli %add3A_256, %mul3A_257 : i32
        %dma_start3A_259 = tpu.memref_slice %arg5[%mul3A_258] : memref<10240xi32, #tpu.memory_space<vmem>> -> memref<128xi32, #tpu.memory_space<vmem>>
        %dma_start3A_260 = arith.constant 0 : i32
        %dma_start3A_261 = arith.constant 0 : i32
        %dma_start3A_262 = tpu.memref_slice %arg2[%dma_start3A_260, %dma_start3A_261] : memref<1000002x128xf32, #tpu.memory_space<hbm>> -> memref<1000002x128xf32, #tpu.memory_space<hbm>>
        tpu.enqueue_indirect_dma source(%dma_start3A_262 : memref<1000002x128xf32, #tpu.memory_space<hbm>>) target(%arg6 : memref<128x128xf32, #tpu.memory_space<vmem>>) offsets(%dma_start3A_259 : memref<128xi32, #tpu.memory_space<vmem>>) semaphore(%arg10 : memref<!tpu.dma_semaphore, #tpu.memory_space<semaphore_mem>>)
      } else {
      }
      %add3A_181 = arith.constant 1 : i32
      %add3A_182 = arith.addi %add3A_111, %add3A_181 : i32
      %mul3A_183 = arith.constant 128 : i32
      %mul3A_184 = arith.muli %add3A_182, %mul3A_183 : i32
      %dma_wait3A_185 = tpu.memref_slice %arg5[%mul3A_184] : memref<10240xi32, #tpu.memory_space<vmem>> -> memref<128xi32, #tpu.memory_space<vmem>>
      %dma_wait3A_186 = arith.constant 0 : i32
      %dma_wait3A_187 = arith.constant 0 : i32
      %dma_wait3A_188 = tpu.memref_slice %arg2[%dma_wait3A_186, %dma_wait3A_187] : memref<1000002x128xf32, #tpu.memory_space<hbm>> -> memref<1000002x128xf32, #tpu.memory_space<hbm>>
      tpu.wait_indirect_dma semaphore(%arg11 : memref<!tpu.dma_semaphore, #tpu.memory_space<semaphore_mem>>) src(%dma_wait3A_188 : memref<1000002x128xf32, #tpu.memory_space<hbm>>) dst(%arg7 : memref<128x128xf32, #tpu.memory_space<vmem>>)
      %ge3A_189 = arith.constant 2 : i32
      %ge3A_190 = arith.cmpi sge, %add3A_182, %ge3A_189 : i32
      %convert_element_type3A_191 = arith.extui %ge3A_190 : i1 to i32
      %cond3A_192 = arith.constant 0 : i32
      %cond3A_193 = arith.cmpi ne, %convert_element_type3A_191, %cond3A_192 : i32
      scf.if %cond3A_193 {
        %sub3A_255 = arith.constant 2 : i32
        %sub3A_256 = arith.subi %add3A_182, %sub3A_255 : i32
        %add3A_257 = arith.addi %mul3A_4, %sub3A_256 : i32
        %jit3A_258 = arith.constant 128 : i32
        %div3A_259 = arith.divsi %add3A_257, %jit3A_258 : i32
        %sign3A_260 = arith.constant 0 : i32
        %sign3A_261 = arith.cmpi sgt, %add3A_257, %sign3A_260 : i32
        %sign3A_262 = arith.extui %sign3A_261 : i1 to i32
        %sign3A_263 = arith.constant 0 : i32
        %sign3A_264 = arith.cmpi slt, %add3A_257, %sign3A_263 : i32
        %sign3A_265 = arith.extui %sign3A_264 : i1 to i32
        %sign3A_266 = arith.subi %sign3A_262, %sign3A_265 : i32
        %sign3A_267 = arith.constant 0 : i32
        %sign3A_268 = arith.cmpi sgt, %jit3A_258, %sign3A_267 : i32
        %sign3A_269 = arith.extui %sign3A_268 : i1 to i32
        %sign3A_270 = arith.constant 0 : i32
        %sign3A_271 = arith.cmpi slt, %jit3A_258, %sign3A_270 : i32
        %sign3A_272 = arith.extui %sign3A_271 : i1 to i32
        %sign3A_273 = arith.subi %sign3A_269, %sign3A_272 : i32
        %ne3A_274 = arith.cmpi ne, %sign3A_266, %sign3A_273 : i32
        %rem3A_275 = arith.remsi %add3A_257, %jit3A_258 : i32
        %ne3A_276 = arith.constant 0 : i32
        %ne3A_277 = arith.cmpi ne, %rem3A_275, %ne3A_276 : i32
        %and3A_278 = arith.andi %ne3A_274, %ne3A_277 : i1
        %sub3A_279 = arith.constant 1 : i32
        %sub3A_280 = arith.subi %div3A_259, %sub3A_279 : i32
        %select_n3A_281 = arith.select %and3A_278, %sub3A_280, %div3A_259 : i32
        %jit3A_282 = arith.constant 128 : i32
        %eq3A_283 = arith.constant 0 : i32
        %eq3A_284 = arith.cmpi eq, %jit3A_282, %eq3A_283 : i32
        %jit3A_285 = arith.constant 1 : i32
        %select_n3A_286 = arith.select %eq3A_284, %jit3A_285, %jit3A_282 : i32
        %rem3A_287 = arith.remsi %add3A_257, %select_n3A_286 : i32
        %ne3A_288 = arith.constant 0 : i32
        %ne3A_289 = arith.cmpi ne, %rem3A_287, %ne3A_288 : i32
        %lt3A_290 = arith.constant 0 : i32
        %lt3A_291 = arith.cmpi slt, %rem3A_287, %lt3A_290 : i32
        %lt3A_292 = arith.constant 0 : i32
        %lt3A_293 = arith.cmpi slt, %select_n3A_286, %lt3A_292 : i32
        %ne3A_294 = arith.xori %lt3A_291, %lt3A_293 : i1
        %and3A_295 = arith.andi %ne3A_294, %ne3A_289 : i1
        %add3A_296 = arith.addi %rem3A_287, %select_n3A_286 : i32
        %select_n3A_297 = arith.select %and3A_295, %add3A_296, %rem3A_287 : i32
        %mul3A_298 = arith.constant 128 : i32
        %mul3A_299 = arith.muli %select_n3A_297, %mul3A_298 : i32
        %dma_wait3A_300 = arith.constant 0 : i32
        %dma_wait3A_301 = tpu.memref_slice %arg4[%select_n3A_281, %mul3A_299, %dma_wait3A_300] : memref<20x16384x64xf32, #tpu.memory_space<hbm>> -> memref<1x128x64xf32, #tpu.memory_space<hbm>>
        %dma_wait3A_302 = tpu.memref_squeeze %dma_wait3A_301 : memref<1x128x64xf32, #tpu.memory_space<hbm>> -> memref<128x64xf32, #tpu.memory_space<hbm>>
        %dma_wait3A_303 = arith.constant 0 : i32
        %dma_wait3A_304 = tpu.memref_slice %arg4[%select_n3A_281, %mul3A_299, %dma_wait3A_303] : memref<20x16384x64xf32, #tpu.memory_space<hbm>> -> memref<1x128x64xf32, #tpu.memory_space<hbm>>
        %dma_wait3A_305 = tpu.memref_squeeze %dma_wait3A_304 : memref<1x128x64xf32, #tpu.memory_space<hbm>> -> memref<128x64xf32, #tpu.memory_space<hbm>>
        tpu.wait_dma2 semaphore(%arg13 : memref<!tpu.dma_semaphore, #tpu.memory_space<semaphore_mem>>) src(%arg9 : memref<128x64xf32, #tpu.memory_space<vmem>>) dst(%dma_wait3A_305 : memref<128x64xf32, #tpu.memory_space<hbm>>)
      } else {
      }
      %scan3A_194 = arith.constant 0 : i32
      %scan3A_195 = arith.constant 128 : i32
      %scan3A_196 = arith.addi %scan3A_194, %scan3A_195 : i32
      %scan3A_197 = arith.constant 1 : i32
      scf.for %scan3A_255 = %scan3A_194 to %scan3A_196 step %scan3A_197  : i32 {
        %mul3A_256 = arith.constant 1 : i32
        %mul3A_257 = arith.muli %scan3A_255, %mul3A_256 : i32
        %add3A_258 = arith.constant 0 : i32
        %add3A_259 = arith.addi %add3A_258, %mul3A_257 : i32
        %get3A = arith.index_cast %add3A_259 : i32 to index
        %get3A_260 = arith.constant 0 : index
        %get3A_261 = tpu.vector_load %arg7[%get3A, %get3A_260] {strides = array<i32>} : memref<128x128xf32, #tpu.memory_space<vmem>>, vector<1x16xf32>,
        %get3A_262 = vector.shape_cast %get3A_261 : vector<1x16xf32> to vector<16xf32>
        %swap3A = arith.index_cast %add3A_259 : i32 to index
        %swap3A_263 = arith.constant 0 : index
        %swap3A_264 = tpu.vector_load %arg9[%swap3A, %swap3A_263] {strides = array<i32>} : memref<128x64xf32, #tpu.memory_space<vmem>>, vector<1x16xf32>,
        %swap3A_265 = vector.shape_cast %swap3A_264 : vector<1x16xf32> to vector<16xf32>
        %swap3A_266 = vector.shape_cast %get3A_262 : vector<16xf32> to vector<1x16xf32>
        tpu.vector_store %arg9[%swap3A, %swap3A_263], %swap3A_266 {strides = array<i32>} : memref<128x64xf32, #tpu.memory_space<vmem>>, vector<1x16xf32>,
        %get3A_267 = arith.index_cast %add3A_259 : i32 to index
        %get3A_268 = arith.constant 16 : index
        %get3A_269 = tpu.vector_load %arg7[%get3A_267, %get3A_268] {strides = array<i32>} : memref<128x128xf32, #tpu.memory_space<vmem>>, vector<1x16xf32>,
        %get3A_270 = vector.shape_cast %get3A_269 : vector<1x16xf32> to vector<16xf32>
        %swap3A_271 = arith.index_cast %add3A_259 : i32 to index
        %swap3A_272 = arith.constant 16 : index
        %swap3A_273 = tpu.vector_load %arg9[%swap3A_271, %swap3A_272] {strides = array<i32>} : memref<128x64xf32, #tpu.memory_space<vmem>>, vector<1x16xf32>,
        %swap3A_274 = vector.shape_cast %swap3A_273 : vector<1x16xf32> to vector<16xf32>
        %swap3A_275 = vector.shape_cast %get3A_270 : vector<16xf32> to vector<1x16xf32>
        tpu.vector_store %arg9[%swap3A_271, %swap3A_272], %swap3A_275 {strides = array<i32>} : memref<128x64xf32, #tpu.memory_space<vmem>>, vector<1x16xf32>,
        %get3A_276 = arith.index_cast %add3A_259 : i32 to index
        %get3A_277 = arith.constant 32 : index
        %get3A_278 = tpu.vector_load %arg7[%get3A_276, %get3A_277] {strides = array<i32>} : memref<128x128xf32, #tpu.memory_space<vmem>>, vector<1x16xf32>,
        %get3A_279 = vector.shape_cast %get3A_278 : vector<1x16xf32> to vector<16xf32>
        %swap3A_280 = arith.index_cast %add3A_259 : i32 to index
        %swap3A_281 = arith.constant 32 : index
        %swap3A_282 = tpu.vector_load %arg9[%swap3A_280, %swap3A_281] {strides = array<i32>} : memref<128x64xf32, #tpu.memory_space<vmem>>, vector<1x16xf32>,
        %swap3A_283 = vector.shape_cast %swap3A_282 : vector<1x16xf32> to vector<16xf32>
        %swap3A_284 = vector.shape_cast %get3A_279 : vector<16xf32> to vector<1x16xf32>
        tpu.vector_store %arg9[%swap3A_280, %swap3A_281], %swap3A_284 {strides = array<i32>} : memref<128x64xf32, #tpu.memory_space<vmem>>, vector<1x16xf32>,
        %get3A_285 = arith.index_cast %add3A_259 : i32 to index
        %get3A_286 = arith.constant 48 : index
        %get3A_287 = tpu.vector_load %arg7[%get3A_285, %get3A_286] {strides = array<i32>} : memref<128x128xf32, #tpu.memory_space<vmem>>, vector<1x16xf32>,
        %get3A_288 = vector.shape_cast %get3A_287 : vector<1x16xf32> to vector<16xf32>
        %swap3A_289 = arith.index_cast %add3A_259 : i32 to index
        %swap3A_290 = arith.constant 48 : index
        %swap3A_291 = tpu.vector_load %arg9[%swap3A_289, %swap3A_290] {strides = array<i32>} : memref<128x64xf32, #tpu.memory_space<vmem>>, vector<1x16xf32>,
        %swap3A_292 = vector.shape_cast %swap3A_291 : vector<1x16xf32> to vector<16xf32>
        %swap3A_293 = vector.shape_cast %get3A_288 : vector<16xf32> to vector<1x16xf32>
        tpu.vector_store %arg9[%swap3A_289, %swap3A_290], %swap3A_293 {strides = array<i32>} : memref<128x64xf32, #tpu.memory_space<vmem>>, vector<1x16xf32>,
      }
      %scan3A_198 = arith.constant 128 : i32
      %add3A_199 = arith.addi %mul3A_4, %add3A_182 : i32
      %jit3A_200 = arith.constant 128 : i32
      %div3A_201 = arith.divsi %add3A_199, %jit3A_200 : i32
      %sign3A_202 = arith.constant 0 : i32
      %sign3A_203 = arith.cmpi sgt, %add3A_199, %sign3A_202 : i32
      %sign3A_204 = arith.extui %sign3A_203 : i1 to i32
      %sign3A_205 = arith.constant 0 : i32
      %sign3A_206 = arith.cmpi slt, %add3A_199, %sign3A_205 : i32
      %sign3A_207 = arith.extui %sign3A_206 : i1 to i32
      %sign3A_208 = arith.subi %sign3A_204, %sign3A_207 : i32
      %sign3A_209 = arith.constant 0 : i32
      %sign3A_210 = arith.cmpi sgt, %jit3A_200, %sign3A_209 : i32
      %sign3A_211 = arith.extui %sign3A_210 : i1 to i32
      %sign3A_212 = arith.constant 0 : i32
      %sign3A_213 = arith.cmpi slt, %jit3A_200, %sign3A_212 : i32
      %sign3A_214 = arith.extui %sign3A_213 : i1 to i32
      %sign3A_215 = arith.subi %sign3A_211, %sign3A_214 : i32
      %ne3A_216 = arith.cmpi ne, %sign3A_208, %sign3A_215 : i32
      %rem3A_217 = arith.remsi %add3A_199, %jit3A_200 : i32
      %ne3A_218 = arith.constant 0 : i32
      %ne3A_219 = arith.cmpi ne, %rem3A_217, %ne3A_218 : i32
      %and3A_220 = arith.andi %ne3A_216, %ne3A_219 : i1
      %sub3A_221 = arith.constant 1 : i32
      %sub3A_222 = arith.subi %div3A_201, %sub3A_221 : i32
      %select_n3A_223 = arith.select %and3A_220, %sub3A_222, %div3A_201 : i32
      %jit3A_224 = arith.constant 128 : i32
      %eq3A_225 = arith.constant 0 : i32
      %eq3A_226 = arith.cmpi eq, %jit3A_224, %eq3A_225 : i32
      %jit3A_227 = arith.constant 1 : i32
      %select_n3A_228 = arith.select %eq3A_226, %jit3A_227, %jit3A_224 : i32
      %rem3A_229 = arith.remsi %add3A_199, %select_n3A_228 : i32
      %ne3A_230 = arith.constant 0 : i32
      %ne3A_231 = arith.cmpi ne, %rem3A_229, %ne3A_230 : i32
      %lt3A_232 = arith.constant 0 : i32
      %lt3A_233 = arith.cmpi slt, %rem3A_229, %lt3A_232 : i32
      %lt3A_234 = arith.constant 0 : i32
      %lt3A_235 = arith.cmpi slt, %select_n3A_228, %lt3A_234 : i32
      %ne3A_236 = arith.xori %lt3A_233, %lt3A_235 : i1
      %and3A_237 = arith.andi %ne3A_236, %ne3A_231 : i1
      %add3A_238 = arith.addi %rem3A_229, %select_n3A_228 : i32
      %select_n3A_239 = arith.select %and3A_237, %add3A_238, %rem3A_229 : i32
      %mul3A_240 = arith.constant 128 : i32
      %mul3A_241 = arith.muli %select_n3A_239, %mul3A_240 : i32
      %dma_start3A_242 = arith.constant 0 : i32
      %dma_start3A_243 = tpu.memref_slice %arg4[%select_n3A_223, %mul3A_241, %dma_start3A_242] : memref<20x16384x64xf32, #tpu.memory_space<hbm>> -> memref<1x128x64xf32, #tpu.memory_space<hbm>>
      %dma_start3A_244 = tpu.memref_squeeze %dma_start3A_243 : memref<1x128x64xf32, #tpu.memory_space<hbm>> -> memref<128x64xf32, #tpu.memory_space<hbm>>
      %dma_start3A_245 = arith.constant 0 : i32
      %dma_start3A_246 = tpu.memref_slice %arg4[%select_n3A_223, %mul3A_241, %dma_start3A_245] : memref<20x16384x64xf32, #tpu.memory_space<hbm>> -> memref<1x128x64xf32, #tpu.memory_space<hbm>>
      %dma_start3A_247 = tpu.memref_squeeze %dma_start3A_246 : memref<1x128x64xf32, #tpu.memory_space<hbm>> -> memref<128x64xf32, #tpu.memory_space<hbm>>
      tpu.enqueue_dma source(%arg9 : memref<128x64xf32, #tpu.memory_space<vmem>>) target(%dma_start3A_247 : memref<128x64xf32, #tpu.memory_space<hbm>>) target_semaphore(%arg13 : memref<!tpu.dma_semaphore, #tpu.memory_space<semaphore_mem>>)
      %add3A_248 = arith.constant 2 : i32
      %add3A_249 = arith.addi %add3A_182, %add3A_248 : i32
      %lt3A_250 = arith.constant 80 : i32
      %lt3A_251 = arith.cmpi slt, %add3A_249, %lt3A_250 : i32
      %convert_element_type3A_252 = arith.extui %lt3A_251 : i1 to i32
      %cond3A_253 = arith.constant 0 : i32
      %cond3A_254 = arith.cmpi ne, %convert_element_type3A_252, %cond3A_253 : i32
      scf.if %cond3A_254 {
        %add3A_255 = arith.constant 2 : i32
        %add3A_256 = arith.addi %add3A_182, %add3A_255 : i32
        %mul3A_257 = arith.constant 128 : i32
        %mul3A_258 = arith.muli %add3A_256, %mul3A_257 : i32
        %dma_start3A_259 = tpu.memref_slice %arg5[%mul3A_258] : memref<10240xi32, #tpu.memory_space<vmem>> -> memref<128xi32, #tpu.memory_space<vmem>>
        %dma_start3A_260 = arith.constant 0 : i32
        %dma_start3A_261 = arith.constant 0 : i32
        %dma_start3A_262 = tpu.memref_slice %arg2[%dma_start3A_260, %dma_start3A_261] : memref<1000002x128xf32, #tpu.memory_space<hbm>> -> memref<1000002x128xf32, #tpu.memory_space<hbm>>
        tpu.enqueue_indirect_dma source(%dma_start3A_262 : memref<1000002x128xf32, #tpu.memory_space<hbm>>) target(%arg7 : memref<128x128xf32, #tpu.memory_space<vmem>>) offsets(%dma_start3A_259 : memref<128xi32, #tpu.memory_space<vmem>>) semaphore(%arg11 : memref<!tpu.dma_semaphore, #tpu.memory_space<semaphore_mem>>)
      } else {
      }
    }
    %scan3A_17 = arith.constant 40 : i32
    %add3A_18 = arith.constant 78 : i32
    %add3A_19 = arith.addi %mul3A_4, %add3A_18 : i32
    %jit3A = arith.constant 128 : i32
    %div3A = arith.divsi %add3A_19, %jit3A : i32
    %sign3A = arith.constant 0 : i32
    %sign3A_20 = arith.cmpi sgt, %add3A_19, %sign3A : i32
    %sign3A_21 = arith.extui %sign3A_20 : i1 to i32
    %sign3A_22 = arith.constant 0 : i32
    %sign3A_23 = arith.cmpi slt, %add3A_19, %sign3A_22 : i32
    %sign3A_24 = arith.extui %sign3A_23 : i1 to i32
    %sign3A_25 = arith.subi %sign3A_21, %sign3A_24 : i32
    %sign3A_26 = arith.constant 0 : i32
    %sign3A_27 = arith.cmpi sgt, %jit3A, %sign3A_26 : i32
    %sign3A_28 = arith.extui %sign3A_27 : i1 to i32
    %sign3A_29 = arith.constant 0 : i32
    %sign3A_30 = arith.cmpi slt, %jit3A, %sign3A_29 : i32
    %sign3A_31 = arith.extui %sign3A_30 : i1 to i32
    %sign3A_32 = arith.subi %sign3A_28, %sign3A_31 : i32
    %ne3A = arith.cmpi ne, %sign3A_25, %sign3A_32 : i32
    %rem3A = arith.remsi %add3A_19, %jit3A : i32
    %ne3A_33 = arith.constant 0 : i32
    %ne3A_34 = arith.cmpi ne, %rem3A, %ne3A_33 : i32
    %and3A = arith.andi %ne3A, %ne3A_34 : i1
    %sub3A = arith.constant 1 : i32
    %sub3A_35 = arith.subi %div3A, %sub3A : i32
    %select_n3A = arith.select %and3A, %sub3A_35, %div3A : i32
    %jit3A_36 = arith.constant 128 : i32
    %eq3A = arith.constant 0 : i32
    %eq3A_37 = arith.cmpi eq, %jit3A_36, %eq3A : i32
    %jit3A_38 = arith.constant 1 : i32
    %select_n3A_39 = arith.select %eq3A_37, %jit3A_38, %jit3A_36 : i32
    %rem3A_40 = arith.remsi %add3A_19, %select_n3A_39 : i32
    %ne3A_41 = arith.constant 0 : i32
    %ne3A_42 = arith.cmpi ne, %rem3A_40, %ne3A_41 : i32
    %lt3A = arith.constant 0 : i32
    %lt3A_43 = arith.cmpi slt, %rem3A_40, %lt3A : i32
    %lt3A_44 = arith.constant 0 : i32
    %lt3A_45 = arith.cmpi slt, %select_n3A_39, %lt3A_44 : i32
    %ne3A_46 = arith.xori %lt3A_43, %lt3A_45 : i1
    %and3A_47 = arith.andi %ne3A_46, %ne3A_42 : i1
    %add3A_48 = arith.addi %rem3A_40, %select_n3A_39 : i32
    %select_n3A_49 = arith.select %and3A_47, %add3A_48, %rem3A_40 : i32
    %mul3A_50 = arith.constant 128 : i32
    %mul3A_51 = arith.muli %select_n3A_49, %mul3A_50 : i32
    %dma_wait3A = arith.constant 0 : i32
    %dma_wait3A_52 = tpu.memref_slice %arg4[%select_n3A, %mul3A_51, %dma_wait3A] : memref<20x16384x64xf32, #tpu.memory_space<hbm>> -> memref<1x128x64xf32, #tpu.memory_space<hbm>>
    %dma_wait3A_53 = tpu.memref_squeeze %dma_wait3A_52 : memref<1x128x64xf32, #tpu.memory_space<hbm>> -> memref<128x64xf32, #tpu.memory_space<hbm>>
    %dma_wait3A_54 = arith.constant 0 : i32
    %dma_wait3A_55 = tpu.memref_slice %arg4[%select_n3A, %mul3A_51, %dma_wait3A_54] : memref<20x16384x64xf32, #tpu.memory_space<hbm>> -> memref<1x128x64xf32, #tpu.memory_space<hbm>>
    %dma_wait3A_56 = tpu.memref_squeeze %dma_wait3A_55 : memref<1x128x64xf32, #tpu.memory_space<hbm>> -> memref<128x64xf32, #tpu.memory_space<hbm>>
    tpu.wait_dma2 semaphore(%arg12 : memref<!tpu.dma_semaphore, #tpu.memory_space<semaphore_mem>>) src(%arg8 : memref<128x64xf32, #tpu.memory_space<vmem>>) dst(%dma_wait3A_56 : memref<128x64xf32, #tpu.memory_space<hbm>>)
    %add3A_57 = arith.constant 79 : i32
    %add3A_58 = arith.addi %mul3A_4, %add3A_57 : i32
    %jit3A_59 = arith.constant 128 : i32
    %div3A_60 = arith.divsi %add3A_58, %jit3A_59 : i32
    %sign3A_61 = arith.constant 0 : i32
    %sign3A_62 = arith.cmpi sgt, %add3A_58, %sign3A_61 : i32
    %sign3A_63 = arith.extui %sign3A_62 : i1 to i32
    %sign3A_64 = arith.constant 0 : i32
    %sign3A_65 = arith.cmpi slt, %add3A_58, %sign3A_64 : i32
    %sign3A_66 = arith.extui %sign3A_65 : i1 to i32
    %sign3A_67 = arith.subi %sign3A_63, %sign3A_66 : i32
    %sign3A_68 = arith.constant 0 : i32
    %sign3A_69 = arith.cmpi sgt, %jit3A_59, %sign3A_68 : i32
    %sign3A_70 = arith.extui %sign3A_69 : i1 to i32
    %sign3A_71 = arith.constant 0 : i32
    %sign3A_72 = arith.cmpi slt, %jit3A_59, %sign3A_71 : i32
    %sign3A_73 = arith.extui %sign3A_72 : i1 to i32
    %sign3A_74 = arith.subi %sign3A_70, %sign3A_73 : i32
    %ne3A_75 = arith.cmpi ne, %sign3A_67, %sign3A_74 : i32
    %rem3A_76 = arith.remsi %add3A_58, %jit3A_59 : i32
    %ne3A_77 = arith.constant 0 : i32
    %ne3A_78 = arith.cmpi ne, %rem3A_76, %ne3A_77 : i32
    %and3A_79 = arith.andi %ne3A_75, %ne3A_78 : i1
    %sub3A_80 = arith.constant 1 : i32
    %sub3A_81 = arith.subi %div3A_60, %sub3A_80 : i32
    %select_n3A_82 = arith.select %and3A_79, %sub3A_81, %div3A_60 : i32
    %jit3A_83 = arith.constant 128 : i32
    %eq3A_84 = arith.constant 0 : i32
    %eq3A_85 = arith.cmpi eq, %jit3A_83, %eq3A_84 : i32
    %jit3A_86 = arith.constant 1 : i32
    %select_n3A_87 = arith.select %eq3A_85, %jit3A_86, %jit3A_83 : i32
    %rem3A_88 = arith.remsi %add3A_58, %select_n3A_87 : i32
    %ne3A_89 = arith.constant 0 : i32
    %ne3A_90 = arith.cmpi ne, %rem3A_88, %ne3A_89 : i32
    %lt3A_91 = arith.constant 0 : i32
    %lt3A_92 = arith.cmpi slt, %rem3A_88, %lt3A_91 : i32
    %lt3A_93 = arith.constant 0 : i32
    %lt3A_94 = arith.cmpi slt, %select_n3A_87, %lt3A_93 : i32
    %ne3A_95 = arith.xori %lt3A_92, %lt3A_94 : i1
    %and3A_96 = arith.andi %ne3A_95, %ne3A_90 : i1
    %add3A_97 = arith.addi %rem3A_88, %select_n3A_87 : i32
    %select_n3A_98 = arith.select %and3A_96, %add3A_97, %rem3A_88 : i32
    %mul3A_99 = arith.constant 128 : i32
    %mul3A_100 = arith.muli %select_n3A_98, %mul3A_99 : i32
    %dma_wait3A_101 = arith.constant 0 : i32
    %dma_wait3A_102 = tpu.memref_slice %arg4[%select_n3A_82, %mul3A_100, %dma_wait3A_101] : memref<20x16384x64xf32, #tpu.memory_space<hbm>> -> memref<1x128x64xf32, #tpu.memory_space<hbm>>
    %dma_wait3A_103 = tpu.memref_squeeze %dma_wait3A_102 : memref<1x128x64xf32, #tpu.memory_space<hbm>> -> memref<128x64xf32, #tpu.memory_space<hbm>>
    %dma_wait3A_104 = arith.constant 0 : i32
    %dma_wait3A_105 = tpu.memref_slice %arg4[%select_n3A_82, %mul3A_100, %dma_wait3A_104] : memref<20x16384x64xf32, #tpu.memory_space<hbm>> -> memref<1x128x64xf32, #tpu.memory_space<hbm>>
    %dma_wait3A_106 = tpu.memref_squeeze %dma_wait3A_105 : memref<1x128x64xf32, #tpu.memory_space<hbm>> -> memref<128x64xf32, #tpu.memory_space<hbm>>
    tpu.wait_dma2 semaphore(%arg13 : memref<!tpu.dma_semaphore, #tpu.memory_space<semaphore_mem>>) src(%arg9 : memref<128x64xf32, #tpu.memory_space<vmem>>) dst(%dma_wait3A_106 : memref<128x64xf32, #tpu.memory_space<hbm>>)
    return
  }
}

module attributes {stable_mosaic.version = 14 : i64} {
  func.func @body(%arg0: i32, %arg1: memref<64x16384xf32, #tpu.memory_space<vmem>>, %arg2: memref<16384x128xf32, #tpu.memory_space<vmem>>) attributes {dimension_semantics = [#tpu.dimension_semantics<arbitrary>], iteration_bounds = array<i64: 62>, scalar_prefetch = 0 : i64, scratch_operands = 0 : i64, tpu.core_type = #tpu.core_type<tc>, window_params = [{transform_indices = @transform_0, window_bounds = array<i64: 64, 16384>}, {transform_indices = @transform_1, window_bounds = array<i64: 16384, 128>}]} {
    %get3A = arith.constant 0 : index
    %get3A_0 = arith.constant 0 : index
    %get3A_1 = vector.load %arg1[%get3A, %get3A_0] : memref<64x16384xf32, #tpu.memory_space<vmem>>, vector<64x16384xf32>
    %transpose3A = tpu.transpose %get3A_1, [1, 0] : vector<64x16384xf32> -> vector<16384x64xf32>
    %swap3A = arith.constant 0 : index
    %swap3A_2 = arith.constant 0 : index
    %swap3A_3 = vector.load %arg2[%swap3A, %swap3A_2] : memref<16384x128xf32, #tpu.memory_space<vmem>>, vector<16384x64xf32>
    tpu.vector_store %arg2[%swap3A, %swap3A_2], %transpose3A {strides = array<i32>} : memref<16384x128xf32, #tpu.memory_space<vmem>>, vector<16384x64xf32>,
    return
  }
  func.func @transform_0(%arg0: i32) -> (i32, i32) {
    %c0_i32 = arith.constant 0 : i32
    %c0_i32_0 = arith.constant 0 : i32
    return %c0_i32, %arg0 : i32, i32
  }
  func.func @transform_1(%arg0: i32) -> (i32, i32) {
    %c0_i32 = arith.constant 0 : i32
    %c0_i32_0 = arith.constant 0 : i32
    return %arg0, %c0_i32 : i32, i32
  }
}

module attributes {stable_mosaic.version = 14 : i64} {
  func.func @body(%arg0: i32, %arg1: i32, %arg2: memref<1x8192x64xf32, #tpu.memory_space<vmem>>, %arg3: memref<1x64x8192xf32, #tpu.memory_space<vmem>>) attributes {dimension_semantics = [#tpu.dimension_semantics<arbitrary>, #tpu.dimension_semantics<arbitrary>], iteration_bounds = array<i64: 20, 2>, scalar_prefetch = 0 : i64, scratch_operands = 0 : i64, tpu.core_type = #tpu.core_type<tc>, window_params = [{transform_indices = @transform_0, window_bounds = array<i64: 1, 8192, 64>}, {transform_indices = @transform_1, window_bounds = array<i64: 1, 64, 8192>}]} {
    %get3A = arith.constant 0 : index
    %get3A_0 = arith.constant 0 : index
    %get3A_1 = arith.constant 0 : index
    %get3A_2 = vector.load %arg2[%get3A, %get3A_0, %get3A_1] : memref<1x8192x64xf32, #tpu.memory_space<vmem>>, vector<1x8192x64xf32>
    %get3A_3 = vector.shape_cast %get3A_2 : vector<1x8192x64xf32> to vector<8192x64xf32>
    %transpose3A = tpu.transpose %get3A_3, [1, 0] : vector<8192x64xf32> -> vector<64x8192xf32>
    %swap3A = arith.constant 0 : index
    %swap3A_4 = arith.constant 0 : index
    %swap3A_5 = arith.constant 0 : index
    %swap3A_6 = vector.load %arg3[%swap3A, %swap3A_4, %swap3A_5] : memref<1x64x8192xf32, #tpu.memory_space<vmem>>, vector<1x64x8192xf32>
    %swap3A_7 = vector.shape_cast %swap3A_6 : vector<1x64x8192xf32> to vector<64x8192xf32>
    %swap3A_8 = vector.shape_cast %transpose3A : vector<64x8192xf32> to vector<1x64x8192xf32>
    tpu.vector_store %arg3[%swap3A, %swap3A_4, %swap3A_5], %swap3A_8 {strides = array<i32>} : memref<1x64x8192xf32, #tpu.memory_space<vmem>>, vector<1x64x8192xf32>,
    return
  }
  func.func @transform_0(%arg0: i32, %arg1: i32) -> (i32, i32, i32) {
    %c0_i32 = arith.constant 0 : i32
    %c0_i32_0 = arith.constant 0 : i32
    return %arg0, %arg1, %c0_i32 : i32, i32, i32
  }
  func.func @transform_1(%arg0: i32, %arg1: i32) -> (i32, i32, i32) {
    %c0_i32 = arith.constant 0 : i32
    %c0_i32_0 = arith.constant 0 : i32
    return %arg0, %c0_i32, %arg1 : i32, i32, i32
  }
}

</mosaic_0001>

<sc_bundles>
// kernel: kernel.10.cloned.1.call-start
scs
__scs_entry_jumppad:
0x0: {  	(pc) =	sbr.rel $0x88, $3  }
0x1: {  	(tag) =	ssettag $0x0;
	lr =	simm.s32 $0x1  }
0x2: {  	[smem:$0x3F9E] =	sst lr;
	_ =	strace $0xD0000000  }
0x3: {  	_ = 	snop  }
0x4: {  	_ = 	snop  }
0x5: {  	_ = 	snop  }
0x6: {  	_ = 	snop  }
0x7: {  	_ = 	snop  }
__scs_overlays_trampoline_lowered:
0x8: {  	[smem:$0x3FAD] =	sst s0  }
0x9: {  	[smem:$0x3FAE] =	sst s1  }
0xa: {  	[smem:$0x3FAF] =	sst s2  }
0xb: {  	[smem:$0x3FB0] =	sst s3  }
0xc: {  	[smem:$0x3FB1] =	sst s4  }
0xd: {  	[smem:$0x3FB2] =	sst s5  }
0xe: {  	[smem:$0x3FB3] =	sst s6  }
0xf: {  	[smem:$0x3FB4] =	sst s7  }
0x10: {  	[smem:$0x3FB5] =	sst s8  }
0x11: {  	[smem:$0x3FB6] =	sst s9;
	s0 =	simm.s32 @!p0 $0x0  }
0x12: {  	s1 =	sld [smem:$0x3F9C];
	s0 =	simm.s32 @p0 $0x1  }
0x13: {  	[smem:$0x3FB7] =	sst s0;
	s0 =	simm.s32 @!p1 $0x0  }
0x14: {  	s2 =	sld [smem:$0x3F9B];
	s0 =	simm.s32 @p1 $0x1  }
0x15: {  	[smem:$0x3FB8] =	sst s0;
	s0 =	simm.s32 @!p2 $0x0  }
0x16: {  	s3 =	sld [smem:$0x3FDB];
	s0 =	simm.s32 @p2 $0x1  }
0x17: {  	s4 =	simm.s32 $0x1BF5;
	[smem:$0x3FBA] =	sst s0  }
0x18: {  	s0 =	sld [smem:$0x3F9D];
	_ =	swait.ge [sflag:s4], $0x0  }
0x19: {  	s7 =	sld [smem:$0x3F9E]  }
0x1a: {  	s8 =	sadd.s32 $0xFFFFE003, lr  }
0x1b: {  	s9 =	sadd.s32 $0xFFFFFEF7, lr;
	s5 =	simm.s32 $0xFFFFFFFF;
	p2 =	slt.u32 s8, $0xFFFFF086  }
0x1c: {  	p1 =	slt.u32 s9, $0xF7A;
	s5 =	simm.s32 @!p2 $0x0  }
0x1d: {  	s5 =	simm.s32 @p1 $0x1;
	p0 =	seq.s32 s7, s2  }
0x1e: {  	s7 =	smul.u32 @!p0 $0xF7A, s2;
	p2 =	seq.s32 @!p0 s5, $0x0  }
0x1f: {  	s9 =	smul.u32 $0xF7A, s1;
	s8 =	simm.s32 @!p0 $0x1BF5;
	p2 =	por !p2, p0  }
0x20: {  	[sflag:s8] =	ssyncset.s32 @!p0 $0xFFFFF086;
	s6 =	sadd.s32 @!p0 s3, s7;
	s7 =	simm.s32 @!p0 $0x108  }
0x21: {  	s3 =	sadd.s32 s3, s9;
	s6 =	sadd.s32 @!p0 $0x88, s6;
	s7 =	simm.s32 @p2 $0x1082  }
0x22: {  	[simem:s7], [sflag:s8] =	dma.local @!p0 [hbm:s6], $0xF7A  }
0x23: {  	s9 =	sor.u32 $0xD0000000, s2;
	s6 =	simm.s32 $0x108;
	_ =	swait.ge @!p0 [sflag:s8], $0x0  }
0x24: {  	s3 =	sadd.s32 $0x88, s3;
	s6 =	simm.s32 @!p1 $0x1082;
	[sflag:s4] =	ssyncset.s32 $0xFFFFF086  }
0x25: {  	[simem:s6], [sflag:s4] =	dma.local [hbm:s3], $0xF7A  }
0x26: {  	[smem:$0x3F9E] =	sst s1;
	(tag) =	ssettag s2;
	_ =	strace s9  }
0x27: {  	s1 =	sld [smem:$0x3FAE]  }
0x28: {  	s2 =	sld [smem:$0x3FAF]  }
0x29: {  	s4 =	sld [smem:$0x3FB1]  }
0x2a: {  	p0 =	seq.s32 s5, $0x0;
	s5 =	sld [smem:$0x3FB2]  }
0x2b: {  	s6 =	sld [smem:$0x3FB3]  }
0x2c: {  	s7 =	sld [smem:$0x3FB4]  }
0x2d: {  	s3 =	simm.s32 $0x108;
	s8 =	sld [smem:$0x3FB5]  }
0x2e: {  	s3 =	simm.s32 @!p0 $0x1082;
	s9 =	sld [smem:$0x3FB6]  }
0x2f: {  	lr =	sadd.s32 s0, s3;
	s0 =	sld [smem:$0x3FAD]  }
0x30: {  	s3 =	sld [smem:$0x3FB0]  }
0x31: {  	[smem:$0x3FB9] =	sst s10  }
0x32: {  	s10 =	sld [smem:$0x3FB7];
	_ =	sdelay $0x3  }
0x33: {  	p0 =	seq.s32 s10, $0x1;
	s10 =	sld [smem:$0x3FB9];
	_ =	sdelay $0x3  }
0x34: {  	[smem:$0x3FB9] =	sst s10  }
0x35: {  	s10 =	sld [smem:$0x3FB8];
	_ =	sdelay $0x3  }
0x36: {  	p1 =	seq.s32 s10, $0x1;
	s10 =	sld [smem:$0x3FB9];
	_ =	sdelay $0x3  }
0x37: {  	[smem:$0x3FB9] =	sst s10  }
0x38: {  	s10 =	sld [smem:$0x3FBA]  }
0x39: {  	_ = 	snop;
	(pc) =	sbr.ind lr, $3  }
0x3a: {  	_ = 	snop  }
0x3b: {  	_ = 	snop  }
0x3c: {  	p2 =	seq.s32 s10, $0x1;
	s10 =	sld [smem:$0x3FB9]  }
0x3d: {  	_ =	shalt  }
0x3e: {  	_ =	shalt  }
0x3f: {  	_ =	shalt  }
0x40: {  	_ =	shalt  }
0x41: {  	_ =	shalt  }
0x42: {  	_ =	shalt  }
0x43: {  	_ =	shalt  }
0x44: {  	_ =	shalt  }
0x45: {  	_ =	shalt  }
0x46: {  	_ =	shalt  }
0x47: {  	_ =	shalt  }
0x48: {  	_ =	shalt  }
0x49: {  	_ =	shalt  }
0x4a: {  	_ =	shalt  }
0x4b: {  	_ =	shalt  }
0x4c: {  	_ =	shalt  }
0x4d: {  	_ =	shalt  }
0x4e: {  	_ =	shalt  }
0x4f: {  	_ =	shalt  }
0x50: {  	_ =	shalt  }
0x51: {  	_ =	shalt  }
0x52: {  	_ =	shalt  }
0x53: {  	_ =	shalt  }
0x54: {  	_ =	shalt  }
0x55: {  	_ =	shalt  }
0x56: {  	_ =	shalt  }
0x57: {  	_ =	shalt  }
0x58: {  	_ =	shalt  }
0x59: {  	_ =	shalt  }
0x5a: {  	_ =	shalt  }
0x5b: {  	_ =	shalt  }
0x5c: {  	_ =	shalt  }
0x5d: {  	_ =	shalt  }
0x5e: {  	_ =	shalt  }
0x5f: {  	_ =	shalt  }
0x60: {  	_ =	shalt  }
0x61: {  	_ =	shalt  }
0x62: {  	_ =	shalt  }
0x63: {  	_ =	shalt  }
0x64: {  	_ =	shalt  }
0x65: {  	_ =	shalt  }
0x66: {  	_ =	shalt  }
0x67: {  	_ =	shalt  }
0x68: {  	_ =	shalt  }
0x69: {  	_ =	shalt  }
0x6a: {  	_ =	shalt  }
0x6b: {  	_ =	shalt  }
0x6c: {  	_ =	shalt  }
0x6d: {  	_ =	shalt  }
0x6e: {  	_ =	shalt  }
0x6f: {  	_ =	shalt  }
0x70: {  	_ =	shalt  }
0x71: {  	_ =	shalt  }
0x72: {  	_ =	shalt  }
0x73: {  	_ =	shalt  }
0x74: {  	_ =	shalt  }
0x75: {  	_ =	shalt  }
0x76: {  	_ =	shalt  }
0x77: {  	_ =	shalt  }
0x78: {  	_ =	shalt  }
0x79: {  	_ =	shalt  }
0x7a: {  	_ =	shalt  }
0x7b: {  	_ =	shalt  }
0x7c: {  	_ =	shalt  }
0x7d: {  	_ =	shalt  }
0x7e: {  	_ =	shalt  }
0x7f: {  	_ =	shalt  }
0x80: {  	_ =	shalt  }
0x81: {  	_ =	shalt  }
0x82: {  	_ =	shalt  }
0x83: {  	_ =	shalt  }
0x84: {  	_ =	shalt  }
0x85: {  	_ =	shalt  }
0x86: {  	_ =	shalt  }
0x87: {  	_ =	shalt  }
.Lfunc_end0:
.L_simem_size_0:
called_computation.1_lowered:
.L_overlay_start_0:
0x88: {  	s2 =	sld [smem:$0x3FD9]  }
0x89: {  	s3 =	sld [smem:$0x3FFE];
	_ =	sdelay $0x1  }
0x8a: {  	s1 =	srdreg.scid  }
0x8b: {  	s0 =	sand.u32 $0x1, s1  }
0x8c: {  	s14 =	sshll.u32 s0, $0xA;
	s2 =	sadd.s32 s3, s2  }
0x8d: {  	s2 =	sadd.s32 s2, s14  }
0x8e: {  	[smem:$0x3FC5] =	sst s2  }
0x8f: {  	_ = 	snop  }
0x90: {  	s2 =	sld [smem:$0x3FD0];
	_ =	sdelay $0x2  }
0x91: {  	s15 =	simm.s32 $0xB;
	s4 =	simm.s32 $0x10  }
0x92: {  	[smem:s4], [sflag:s15] =	dma.local [hbm:s2], $0x1  }
0x93: {  	_ =	swait.eq [sflag:s15], $0x1  }
0x94: {  	[sflag:s15] =	ssyncset.done $0x0  }
0x95: {  	[sflag:s15] =	ssyncadd.s32 $0xFFFFFFFF  }
0x96: {  	s16 =	sld [smem:$0x11];
	(tm) =	ssettm $0x1  }
0x97: {  	s17 =	sld [smem:$0x3FFB];
	_ =	sdelay $0x3  }
0x98: {  	_ =	strace s17  }
0x99: {  	s3 =	sld [smem:$0x3FFC];
	_ =	sdelay $0x3  }
0x9a: {  	_ =	strace s3  }
0x9b: {  	s3 =	sld [smem:$0x3FFD];
	_ =	sdelay $0x3  }
0x9c: {  	_ =	strace s3  }
0x9d: {  	_ =	strace $0x8FFFFFFF  }
0x9e: {  	s18 =	sld [smem:$0x3FDB];
	_ =	sdelay $0x1  }
0x9f: {  	s19 =	simm.s32 $_scs_section_size  }
0xa0: {  	s5 =	simm.s32 $_size__tile_overlayer_lowered;
	s6 =	simm.s32 $_tile_overlayer_lowered  }
0xa1: {  	s22 =	simm.s32 $0x1BFF;
	s21 =	sshll.u32 s6, $0x1;
	s3 =	sadd.s32 s19, s18  }
0xa2: {  	s7 =	simm.s32 $0x0;
	s20 =	sshll.u32 s5, $0x1;
	s5 =	sadd.s32 s21, s3  }
0xa3: {  	[timem:s7], [sflag:s22] =	dma.local [hbm:s5], s20  }
0xa4: {  	_ =	swait.ge [sflag:s22], s20  }
0xa5: {  	s4 =	ssub.s32 $0x0, s20;
	[sflag:s22] =	ssyncset.done $0x0  }
0xa6: {  	[sflag:s22] =	ssyncadd.s32 s4;
	_ =	sdelay $0x1  }
0xa7: {  	s23 =	simm.s32 $0x1B8B  }
0xa8: {  	_ =	swait.ge [sflag:s23], $0x1  }
0xa9: {  	[sflag:s23] =	ssyncset.done $0x0  }
0xaa: {  	s25 =	simm.s32 $0x1B8E;
	s24 =	sld [smem:$0x3FFE];
	[sflag:s23] =	ssyncadd.s32 $0xFFFFFFFF  }
0xab: {  	s26 =	simm.s32 $execute0_lowered;
	[smem:$0x3FD2] =	sst s25  }
0xac: {  	s5 =	sshll.u32 s26, $0x1;
	_ =	strace $0x80000046;
	[dreg:$0x1] =	wrdreg $0xFFFFFFFF  }
0xad: {  	s28 =	simm.s32 $_size_execute0_lowered;
	s3 =	sadd.s32 s3, s5;
	[dreg:$0x0] =	wrdreg $0x0  }
0xae: {  	s5 =	sshll.u32 s28, $0x1;
	[dreg:$0x2] =	wrdreg s3  }
0xaf: {  	[dreg:$0x3] =	wrdreg s5  }
0xb0: {  	[dreg:$0x4] =	wrdreg $0xC0  }
0xb1: {  	_ =	task [dreg:s7], $0x5FFFF  }
0xb2: {  	[dreg:$0x1] =	wrdreg $0xFFFFFFFF  }
0xb3: {  	[dreg:$0x0] =	wrdreg $0x60  }
0xb4: {  	[dreg:$0x2] =	wrdreg s24  }
0xb5: {  	[dreg:$0x3] =	wrdreg s16  }
0xb6: {  	[dreg:$0x4] =	wrdreg $0xA  }
0xb7: {  	_ =	task.clear_ibuf [dreg:s7], $0x5FFFF;
	_ =	strace $0x90000046  }
0xb8: {  	s29 =	simm.s32 $0xA;
	_ =	strace $0x80000048  }
0xb9: {  	_ =	swait.ge [sflag:s29], $0x1  }
0xba: {  	[sflag:s29] =	ssyncadd.s32 $0xFFFFFFFF  }
0xbb: {  	_ =	strace $0x90000048  }
0xbc: {  	_ =	sfence  }
0xbd: {  	s30 =	sld [smem:$0x0];
	_ =	sdelay $0x2  }
0xbe: {  	s31 =	sshll.u32 s1, $0xD;
	s1 =	sshrl.u32 s1, $0x2  }
0xbf: {  	s3 =	sand.u32 $0x4000, s31;
	s1 =	sadd.s32 s1, s30  }
0xc0: {  	s0 =	sor.u32 s3, s0;
	s1 =	sshll.u32 s1, $0x11  }
0xc1: {  	s0 =	sor.u32 s1, s0  }
0xc2: {  	s0 =	sadd.s32 $0x8F2B, s0  }
0xc3: {  	[sflag:s0] =	ssyncadd.remote.s32 $0x1  }
0xc4: {  	_ =	sfence.sel $0xFFFF  }
0xc5: {  	[dreg:$0x0] =	wrdreg $0xFFFFFFFF;
	(pc) =	sbr.abs _section_cstart, $3  }
0xc6: {  	[dreg:$0x1] =	wrdreg $0xFFFFFFFF  }
0xc7: {  	_ =	task.clear_ibuf [dreg:s7], $0x2FFFF;
	_ =	strace $0x9FFFFFFF  }
0xc8: {  	(tm) =	ssettm $0x7FFFFFFF  }
0xc9: {  	_ =	shalt  }
tec
execute0_lowered:
.L_overlay_start_1:
0x0: {  	(tag) =	ssettag $0x1  }
0x1: {  	s5 =	rddreg [dreg:$0x0]  }
0x2: {  	s0 =	srdreg.scid;
	s6 =	rddreg [dreg:$0x1]  }
0x3: {  	s1 =	stileid.u32;
	s2 =	simm.s32 $0x0;
	s10 =	simm.s32 $0x80  }
0x4: {  	s11 =	simm.s32 $0x2800;
	s12 =	simm.s32 $0x6800;
	s13 =	simm.s32 $0x1  }
0x5: {  	s14 =	simm.s32 $0xA800;
	s15 =	simm.s32 $0x2;
	s16 =	simm.s32 $0x4  }
0x6: {  	s17 =	simm.s32 $0xE800;
	s18 =	simm.s32 $0x3;
	s4 =	sand.u32 $0x1, s0  }
0x7: {  	s19 =	simm.s32 $0x0;
	s0 =	rddreg [dreg:$0x2];
	s3 =	sshll.u32 s4, $0x4  }
.Ltmp0:
0x8: {  	[smem:$0x7FF] =	sst s2;
	s7 =	sor.u32 s1, s3;
	(pc) =	sbr.rel .LBB2_1-.Ltmp0, $4  }
0x9: {  	_ =	strace $0x80000047;
	s8 =	ssub.s32 $0x2, s4;
	s3 =	smul.u32 $0x50, s7  }
0xa: {  	s4 =	sadd.s32 $0xA00, s5;
	s9 =	sshrl.u32 s8, $0x1;
	s7 =	smul.u32 $0x500, s7  }
0xb: {  	s5 =	sadd.s32 $0xF43000, s5;
	s8 =	ssub.s32 s8, s9;
	s9 =	simm.s32 $0x5  }
0xc: {  	s8 =	smax.u32 s8, $0x1;
	s6 =	sadd.s32 s6, s7;
	s7 =	sor.u32 $0x1, s3  }
.LBB2_12:
0xd: {  	s19 =	sadd.s32 $0x1, s19  }
0xe: {  	_ =	swait.ge [sflag:s18], $0x4000;
	p0 =	sne.s32 s19, s8  }
.Ltmp1:
0xf: {  	[sflag:s18] =	ssyncset.done $0x0;
	(pc) =	sbr.rel @!p0 .LBB2_13-.Ltmp1, $4  }
0x10: {  	[sflag:s18] =	ssyncadd.s32 $0xFFFFC000  }
0x11: {  	_ =	swait.ge [sflag:s16], $0x4000  }
0x12: {  	[sflag:s16] =	ssyncset.done $0x0  }
0x13: {  	[sflag:s16] =	ssyncadd.s32 $0xFFFFC000  }
.LBB2_1:
0x14: {  	[tilespmem:s2], [sflag:$0x5] =	stream.linear.gather [hbm4b:s6+s2], $0x2800, $0x38;
	[tilespmem:$0x12800] =	vst v63  }
0x15: {  	_ =	swait.ge [sflag:s9], $0x2800  }
0x16: {  	[sflag:s9] =	ssyncset.done $0x0  }
0x17: {  	[sflag:s9] =	ssyncadd.s32 $0xFFFFD800  }
0x18: {  	[tilespmem:s11], [sflag:$0x1] =	stream.indirect.gather [hbm4b:s4+s10], $0x80, s2, s10, $0xb8;
	[tilespmem:$0x12800] =	vst v63  }
0x19: {  	s20 =	simm.s32 $0x0  }
0x1a: {  	[tilespmem:s12], [sflag:$0x2] =	stream.indirect.gather [hbm4b:s4+s10], $0x80, s10, s10, $0xb8;
	[tilespmem:$0x12800] =	vst v63  }
.LBB2_2:
0x1b: {  	_ =	swait.ge [sflag:s13], $0x4000  }
0x1c: {  	p0 =	seq.s32 s20, $0x0;
	[sflag:s13] =	ssyncset.done $0x0  }
0x1d: {  	s21 =	simm.s32 @!p0 $0x3;
	[sflag:s13] =	ssyncadd.s32 $0xFFFFC000  }
0x1e: {  	_ =	swait.ge @!p0 [sflag:s21], $0x4000  }
0x1f: {  	[sflag:s21] =	ssyncset.done @!p0 $0x0  }
0x20: {  	s22 =	simm.s32 $0x0;
	[sflag:s21] =	ssyncadd.s32 @!p0 $0xFFFFC000  }
0x21: {  	v1 =	vld [tilespmem:s22+$0x2830]  }
0x22: {  	v2 =	vld [tilespmem:s22+$0x2800]  }
0x23: {  	v0 =	vld [tilespmem:s22+$0x2810]  }
0x24: {  	s23 =	simm.s32 $0x200;
	s21 =	sshll.u32 s20, $0x1;
	v3 =	vld [tilespmem:s22+$0x2820]  }
.LBB2_3:
0x25: {  	p1 =	sne.s32 s23, $0xFE00  }
.Ltmp2:
0x26: {  	s24 =	sshra.s32 s23, $0x2;
	s23 =	sadd.s32 $0x200, s23;
	[tilespmem:s22+$0xA830] =	vst v1;
	(pc) =	sbr.rel @p1 .LBB2_3-.Ltmp2, $4  }
0x27: {  	v1 =	vld [tilespmem:s24+$0x2830];
	[tilespmem:s22+$0xA800] =	vst v2  }
0x28: {  	v2 =	vld [tilespmem:s24+$0x2800];
	[tilespmem:s22+$0xA810] =	vst v0  }
0x29: {  	v0 =	vld [tilespmem:s24+$0x2810];
	[tilespmem:s22+$0xA820] =	vst v3;
	s22 =	smov.u32 s24  }
0x2a: {  	v3 =	vld [tilespmem:s22+$0x2820]  }
0x2b: {  	p1 =	sne.s32 s20, $0x27  }
.Ltmp3:
0x2c: {  	[tilespmem:s22+$0xA830] =	vst v1;
	(pc) =	sbr.rel @p1 .LBB2_6-.Ltmp3, $4  }
0x2d: {  	s23 =	sadd.s32 s3, s21;
	[tilespmem:s22+$0xA800] =	vst v2  }
0x2e: {  	s23 =	sshll.u32 s23, $0xB;
	[tilespmem:s22+$0xA810] =	vst v0  }
0x2f: {  	s31 =	sadd.s32 s5, s23;
	[tilespmem:s22+$0xA820] =	vst v3  }
0x30: {  	[hbm4b:s31+s2] =	stream.linear.scatter [tilespmem:s14], [sflag:$0x3], $0x4000, $0x38;
	[tilespmem:$0x12800] =	vst v63  }
.Ltmp4:
0x31: {  	(pc) =	sbr.rel .LBB2_7-.Ltmp4, $4  }
0x32: {  	_ = 	snop  }
0x33: {  	_ =	swait.ge [sflag:s15], $0x4000  }
0x34: {  	[sflag:s15] =	ssyncset.done $0x0  }
0x35: {  	[sflag:s15] =	ssyncadd.s32 $0xFFFFC000  }
.LBB2_6:
0x36: {  	s22 =	sshll.u32 s20, $0x8  }
0x37: {  	s22 =	sand.u32 $0x3FFFFF00, s22  }
.Ltmp5:
0x38: {  	s22 =	sadd.s32 $0x100, s22;
	(pc) =	sbr.rel @p0 .LBB2_8-.Ltmp5, $4  }
0x39: {  	[tilespmem:s11], [sflag:$0x1] =	stream.indirect.gather [hbm4b:s4+s10], $0x80, s22, s10, $0xb8;
	[tilespmem:$0x12800] =	vst v63  }
0x3a: {  	_ =	swait.ge [sflag:s15], $0x4000  }
0x3b: {  	[sflag:s15] =	ssyncset.done $0x0  }
0x3c: {  	[sflag:s15] =	ssyncadd.s32 $0xFFFFC000  }
.LBB2_7:
0x3d: {  	_ =	swait.ge [sflag:s16], $0x4000  }
0x3e: {  	[sflag:s16] =	ssyncset.done $0x0  }
0x3f: {  	[sflag:s16] =	ssyncadd.s32 $0xFFFFC000  }
.LBB2_8:
0x40: {  	s22 =	simm.s32 $0x0  }
0x41: {  	v3 =	vld [tilespmem:s22+$0x6830]  }
0x42: {  	v1 =	vld [tilespmem:s22+$0x6800]  }
0x43: {  	v0 =	vld [tilespmem:s22+$0x6810]  }
0x44: {  	s23 =	simm.s32 $0x200;
	v2 =	vld [tilespmem:s22+$0x6820]  }
.LBB2_9:
0x45: {  	p0 =	sne.s32 s23, $0xFE00  }
.Ltmp6:
0x46: {  	s24 =	sshra.s32 s23, $0x2;
	s23 =	sadd.s32 $0x200, s23;
	[tilespmem:s22+$0xE830] =	vst v3;
	(pc) =	sbr.rel @p0 .LBB2_9-.Ltmp6, $4  }
0x47: {  	v3 =	vld [tilespmem:s24+$0x6830];
	[tilespmem:s22+$0xE800] =	vst v1  }
0x48: {  	v1 =	vld [tilespmem:s24+$0x6800];
	[tilespmem:s22+$0xE810] =	vst v0  }
0x49: {  	v0 =	vld [tilespmem:s24+$0x6810];
	[tilespmem:s22+$0xE820] =	vst v2;
	s22 =	smov.u32 s24  }
0x4a: {  	v2 =	vld [tilespmem:s22+$0x6820]  }
0x4b: {  	p0 =	seq.s32 s20, $0x27  }
.Ltmp7:
0x4c: {  	s21 =	sadd.s32 s21, s7;
	[tilespmem:s22+$0xE830] =	vst v3;
	(pc) =	sbr.rel @p0 .LBB2_12-.Ltmp7, $4  }
0x4d: {  	s21 =	sshll.u32 s21, $0xB;
	[tilespmem:s22+$0xE800] =	vst v1  }
0x4e: {  	s21 =	sand.u32 $0xFFFF800, s21;
	[tilespmem:s22+$0xE810] =	vst v0  }
0x4f: {  	s21 =	sadd.s32 s5, s21;
	[tilespmem:s22+$0xE820] =	vst v2  }
0x50: {  	[hbm4b:s21+s2] =	stream.linear.scatter [tilespmem:s17], [sflag:$0x4], $0x4000, $0x38;
	[tilespmem:$0x12800] =	vst v63  }
.Ltmp8:
0x51: {  	(pc) =	sbr.rel .LBB2_2-.Ltmp8, $4  }
0x52: {  	s21 =	sshll.u32 s20, $0x8  }
0x53: {  	s21 =	sand.u32 $0x3FFFFF00, s21  }
0x54: {  	s20 =	sadd.s32 $0x1, s20;
	s21 =	sadd.s32 $0x180, s21  }
0x55: {  	[tilespmem:s12], [sflag:$0x2] =	stream.indirect.gather [hbm4b:s4+s10], $0x80, s21, s10, $0xb8;
	[tilespmem:$0x12800] =	vst v63  }
.LBB2_13:
0x56: {  	_ =	sfence.sel $0x180000  }
0x57: {  	[bflag:$0x0] =	sbarrier.arrive $0xFFFF  }
0x58: {  	p0 =	sne.s32 s1, $0x0;
	_ =	strace $0x90000047  }
0x59: {  	s0 =	sadd.s32 @!p0 $0x100000, s0;
	[bflag:$0x2] =	sbarrier.arrive $0xFFFF  }
0x5a: {  	[sflag:s0] =	ssyncadd.tile.s32 @!p0 $0x1;
	_ =	shalt  }
.Lfunc_end2:
_tile_overlayer_lowered:
.L_overlay_start_2:
0x5b: {  	(tag) =	ssettag $0x2  }
0x5c: {  	s0 =	rddreg [dreg:$0x0];
	s2 =	stileid.u32  }
0x5d: {  	s1 =	rddreg [dreg:$0x1];
	p0 =	sne.s32 s2, $0x0  }
0x5e: {  	s3 =	rddreg [dreg:$0x2];
	[bflag:$0x3] =	sbarrier.arrive $0xFFFF;
	s2 =	simm.s32 @!p0 $0x1C05  }
0x5f: {  	[timem:s3], [sflag:s2] =	dma.local @!p0 [hbm:s0], s1  }
0x60: {  	s0 =	simm.s32 @!p0 $0x5  }
0x61: {  	_ =	swait.ge @!p0 [sflag:s0], s1  }
0x62: {  	s1 =	ssub.s32 @!p0 $0x0, s1;
	[sflag:s0] =	ssyncset.done @!p0 $0x0  }
0x63: {  	[sflag:s0] =	ssyncadd.s32 @!p0 s1  }
0x64: {  	[bflag:$0x3] =	sbarrier.arrive $0xFFFF  }
0x65: {  	_ =	shalt  }

// kernel: kernel.7.cloned.1.call-start
scs
__scs_entry_jumppad:
0x0: {  	(pc) =	sbr.rel $0x88, $3  }
0x1: {  	(tag) =	ssettag $0x0;
	lr =	simm.s32 $0x1  }
0x2: {  	[smem:$0x3F9E] =	sst lr;
	_ =	strace $0xD0000000  }
0x3: {  	_ = 	snop  }
0x4: {  	_ = 	snop  }
0x5: {  	_ = 	snop  }
0x6: {  	_ = 	snop  }
0x7: {  	_ = 	snop  }
__scs_overlays_trampoline_lowered:
0x8: {  	[smem:$0x3FAD] =	sst s0  }
0x9: {  	[smem:$0x3FAE] =	sst s1  }
0xa: {  	[smem:$0x3FAF] =	sst s2  }
0xb: {  	[smem:$0x3FB0] =	sst s3  }
0xc: {  	[smem:$0x3FB1] =	sst s4  }
0xd: {  	[smem:$0x3FB2] =	sst s5  }
0xe: {  	[smem:$0x3FB3] =	sst s6  }
0xf: {  	[smem:$0x3FB4] =	sst s7  }
0x10: {  	[smem:$0x3FB5] =	sst s8  }
0x11: {  	[smem:$0x3FB6] =	sst s9;
	s0 =	simm.s32 @!p0 $0x0  }
0x12: {  	s1 =	sld [smem:$0x3F9C];
	s0 =	simm.s32 @p0 $0x1  }
0x13: {  	[smem:$0x3FB7] =	sst s0;
	s0 =	simm.s32 @!p1 $0x0  }
0x14: {  	s2 =	sld [smem:$0x3F9B];
	s0 =	simm.s32 @p1 $0x1  }
0x15: {  	[smem:$0x3FB8] =	sst s0;
	s0 =	simm.s32 @!p2 $0x0  }
0x16: {  	s3 =	sld [smem:$0x3FDB];
	s0 =	simm.s32 @p2 $0x1  }
0x17: {  	s4 =	simm.s32 $0x1BF5;
	[smem:$0x3FBA] =	sst s0  }
0x18: {  	s0 =	sld [smem:$0x3F9D];
	_ =	swait.ge [sflag:s4], $0x0  }
0x19: {  	s7 =	sld [smem:$0x3F9E]  }
0x1a: {  	s8 =	sadd.s32 $0xFFFFE003, lr  }
0x1b: {  	s9 =	sadd.s32 $0xFFFFFEF7, lr;
	s5 =	simm.s32 $0xFFFFFFFF;
	p2 =	slt.u32 s8, $0xFFFFF086  }
0x1c: {  	p1 =	slt.u32 s9, $0xF7A;
	s5 =	simm.s32 @!p2 $0x0  }
0x1d: {  	s5 =	simm.s32 @p1 $0x1;
	p0 =	seq.s32 s7, s2  }
0x1e: {  	s7 =	smul.u32 @!p0 $0xF7A, s2;
	p2 =	seq.s32 @!p0 s5, $0x0  }
0x1f: {  	s9 =	smul.u32 $0xF7A, s1;
	s8 =	simm.s32 @!p0 $0x1BF5;
	p2 =	por !p2, p0  }
0x20: {  	[sflag:s8] =	ssyncset.s32 @!p0 $0xFFFFF086;
	s6 =	sadd.s32 @!p0 s3, s7;
	s7 =	simm.s32 @!p0 $0x108  }
0x21: {  	s3 =	sadd.s32 s3, s9;
	s6 =	sadd.s32 @!p0 $0x88, s6;
	s7 =	simm.s32 @p2 $0x1082  }
0x22: {  	[simem:s7], [sflag:s8] =	dma.local @!p0 [hbm:s6], $0xF7A  }
0x23: {  	s9 =	sor.u32 $0xD0000000, s2;
	s6 =	simm.s32 $0x108;
	_ =	swait.ge @!p0 [sflag:s8], $0x0  }
0x24: {  	s3 =	sadd.s32 $0x88, s3;
	s6 =	simm.s32 @!p1 $0x1082;
	[sflag:s4] =	ssyncset.s32 $0xFFFFF086  }
0x25: {  	[simem:s6], [sflag:s4] =	dma.local [hbm:s3], $0xF7A  }
0x26: {  	[smem:$0x3F9E] =	sst s1;
	(tag) =	ssettag s2;
	_ =	strace s9  }
0x27: {  	s1 =	sld [smem:$0x3FAE]  }
0x28: {  	s2 =	sld [smem:$0x3FAF]  }
0x29: {  	s4 =	sld [smem:$0x3FB1]  }
0x2a: {  	p0 =	seq.s32 s5, $0x0;
	s5 =	sld [smem:$0x3FB2]  }
0x2b: {  	s6 =	sld [smem:$0x3FB3]  }
0x2c: {  	s7 =	sld [smem:$0x3FB4]  }
0x2d: {  	s3 =	simm.s32 $0x108;
	s8 =	sld [smem:$0x3FB5]  }
0x2e: {  	s3 =	simm.s32 @!p0 $0x1082;
	s9 =	sld [smem:$0x3FB6]  }
0x2f: {  	lr =	sadd.s32 s0, s3;
	s0 =	sld [smem:$0x3FAD]  }
0x30: {  	s3 =	sld [smem:$0x3FB0]  }
0x31: {  	[smem:$0x3FB9] =	sst s10  }
0x32: {  	s10 =	sld [smem:$0x3FB7];
	_ =	sdelay $0x3  }
0x33: {  	p0 =	seq.s32 s10, $0x1;
	s10 =	sld [smem:$0x3FB9];
	_ =	sdelay $0x3  }
0x34: {  	[smem:$0x3FB9] =	sst s10  }
0x35: {  	s10 =	sld [smem:$0x3FB8];
	_ =	sdelay $0x3  }
0x36: {  	p1 =	seq.s32 s10, $0x1;
	s10 =	sld [smem:$0x3FB9];
	_ =	sdelay $0x3  }
0x37: {  	[smem:$0x3FB9] =	sst s10  }
0x38: {  	s10 =	sld [smem:$0x3FBA]  }
0x39: {  	_ = 	snop;
	(pc) =	sbr.ind lr, $3  }
0x3a: {  	_ = 	snop  }
0x3b: {  	_ = 	snop  }
0x3c: {  	p2 =	seq.s32 s10, $0x1;
	s10 =	sld [smem:$0x3FB9]  }
0x3d: {  	_ =	shalt  }
0x3e: {  	_ =	shalt  }
0x3f: {  	_ =	shalt  }
0x40: {  	_ =	shalt  }
0x41: {  	_ =	shalt  }
0x42: {  	_ =	shalt  }
0x43: {  	_ =	shalt  }
0x44: {  	_ =	shalt  }
0x45: {  	_ =	shalt  }
0x46: {  	_ =	shalt  }
0x47: {  	_ =	shalt  }
0x48: {  	_ =	shalt  }
0x49: {  	_ =	shalt  }
0x4a: {  	_ =	shalt  }
0x4b: {  	_ =	shalt  }
0x4c: {  	_ =	shalt  }
0x4d: {  	_ =	shalt  }
0x4e: {  	_ =	shalt  }
0x4f: {  	_ =	shalt  }
0x50: {  	_ =	shalt  }
0x51: {  	_ =	shalt  }
0x52: {  	_ =	shalt  }
0x53: {  	_ =	shalt  }
0x54: {  	_ =	shalt  }
0x55: {  	_ =	shalt  }
0x56: {  	_ =	shalt  }
0x57: {  	_ =	shalt  }
0x58: {  	_ =	shalt  }
0x59: {  	_ =	shalt  }
0x5a: {  	_ =	shalt  }
0x5b: {  	_ =	shalt  }
0x5c: {  	_ =	shalt  }
0x5d: {  	_ =	shalt  }
0x5e: {  	_ =	shalt  }
0x5f: {  	_ =	shalt  }
0x60: {  	_ =	shalt  }
0x61: {  	_ =	shalt  }
0x62: {  	_ =	shalt  }
0x63: {  	_ =	shalt  }
0x64: {  	_ =	shalt  }
0x65: {  	_ =	shalt  }
0x66: {  	_ =	shalt  }
0x67: {  	_ =	shalt  }
0x68: {  	_ =	shalt  }
0x69: {  	_ =	shalt  }
0x6a: {  	_ =	shalt  }
0x6b: {  	_ =	shalt  }
0x6c: {  	_ =	shalt  }
0x6d: {  	_ =	shalt  }
0x6e: {  	_ =	shalt  }
0x6f: {  	_ =	shalt  }
0x70: {  	_ =	shalt  }
0x71: {  	_ =	shalt  }
0x72: {  	_ =	shalt  }
0x73: {  	_ =	shalt  }
0x74: {  	_ =	shalt  }
0x75: {  	_ =	shalt  }
0x76: {  	_ =	shalt  }
0x77: {  	_ =	shalt  }
0x78: {  	_ =	shalt  }
0x79: {  	_ =	shalt  }
0x7a: {  	_ =	shalt  }
0x7b: {  	_ =	shalt  }
0x7c: {  	_ =	shalt  }
0x7d: {  	_ =	shalt  }
0x7e: {  	_ =	shalt  }
0x7f: {  	_ =	shalt  }
0x80: {  	_ =	shalt  }
0x81: {  	_ =	shalt  }
0x82: {  	_ =	shalt  }
0x83: {  	_ =	shalt  }
0x84: {  	_ =	shalt  }
0x85: {  	_ =	shalt  }
0x86: {  	_ =	shalt  }
0x87: {  	_ =	shalt  }
.Lfunc_end0:
.L_simem_size_0:
called_computation_lowered:
.L_overlay_start_0:
0x88: {  	s2 =	sld [smem:$0x3FD9]  }
0x89: {  	s3 =	sld [smem:$0x3FFE];
	_ =	sdelay $0x1  }
0x8a: {  	s1 =	srdreg.scid  }
0x8b: {  	s0 =	sand.u32 $0x1, s1  }
0x8c: {  	s15 =	sshll.u32 s0, $0xA;
	s2 =	sadd.s32 s3, s2  }
0x8d: {  	s2 =	sadd.s32 s2, s15  }
0x8e: {  	[smem:$0x3FC5] =	sst s2  }
0x8f: {  	_ = 	snop  }
0x90: {  	s2 =	sld [smem:$0x3FD0];
	_ =	sdelay $0x2  }
0x91: {  	s16 =	simm.s32 $0xB;
	s4 =	simm.s32 $0x10  }
0x92: {  	[smem:s4], [sflag:s16] =	dma.local [hbm:s2], $0x1  }
0x93: {  	_ =	swait.eq [sflag:s16], $0x1  }
0x94: {  	[sflag:s16] =	ssyncset.done $0x0  }
0x95: {  	[sflag:s16] =	ssyncadd.s32 $0xFFFFFFFF  }
0x96: {  	s17 =	sld [smem:$0x10];
	(tm) =	ssettm $0x1  }
0x97: {  	s18 =	sld [smem:$0x3FFB];
	_ =	sdelay $0x3  }
0x98: {  	_ =	strace s18  }
0x99: {  	s2 =	sld [smem:$0x3FFC];
	_ =	sdelay $0x3  }
0x9a: {  	_ =	strace s2  }
0x9b: {  	s2 =	sld [smem:$0x3FFD];
	_ =	sdelay $0x3  }
0x9c: {  	_ =	strace s2  }
0x9d: {  	_ =	strace $0x8FFFFFFF  }
0x9e: {  	s19 =	sld [smem:$0x3FDB];
	_ =	sdelay $0x1  }
0x9f: {  	s20 =	simm.s32 $_scs_section_size  }
0xa0: {  	s5 =	simm.s32 $_size__tile_overlayer_lowered;
	s6 =	simm.s32 $_tile_overlayer_lowered  }
0xa1: {  	s7 =	simm.s32 $0x1BFF;
	s21 =	sshll.u32 s6, $0x1;
	s4 =	sadd.s32 s20, s19  }
0xa2: {  	s22 =	simm.s32 $0x0;
	s5 =	sshll.u32 s5, $0x1;
	s6 =	sadd.s32 s21, s4  }
0xa3: {  	[timem:s22], [sflag:s7] =	dma.local [hbm:s6], s5  }
0xa4: {  	_ =	swait.ge [sflag:s7], s5  }
0xa5: {  	s5 =	ssub.s32 $0x0, s5;
	[sflag:s7] =	ssyncset.done $0x0  }
0xa6: {  	[sflag:s7] =	ssyncadd.s32 s5;
	_ =	sdelay $0x1  }
0xa7: {  	s23 =	simm.s32 $0x1B8B  }
0xa8: {  	_ =	swait.ge [sflag:s23], $0x1  }
0xa9: {  	[sflag:s23] =	ssyncset.done $0x0  }
0xaa: {  	[sflag:s23] =	ssyncadd.s32 $0xFFFFFFFF  }
0xab: {  	s5 =	sld [smem:$0x0]  }
0xac: {  	s6 =	sand.u32 $0xFFFFFFFE, s1  }
0xad: {  	p0 =	sne.s32 s1, s6  }
0xae: {  	s6 =	sshll.u32 @p0 s6, $0xE  }
0xaf: {  	s6 =	sadd.s32 @p0 $0x11B8D, s6;
	s7 =	sshll.u32 @p0 s5, $0x11  }
0xb0: {  	s6 =	sor.u32 @p0 s7, s6  }
0xb1: {  	[sflag:s6] =	ssyncadd.remote.s32 @p0 $0x1;
	_ =	sdelay $0x1  }
0xb2: {  	s6 =	simm.s32 @p0 $0x1B8D  }
0xb3: {  	_ =	swait.eq @p0 [sflag:s6], $0x1  }
0xb4: {  	[sflag:s6] =	ssyncadd.s32 @p0 $0xFFFFFFFF  }
0xb5: {  	s7 =	sshll.u32 @!p0 s1, $0xE  }
0xb6: {  	s7 =	sor.u32 @!p0 $0x4000, s7;
	s6 =	simm.s32 @!p0 $0x1B8D  }
0xb7: {  	s5 =	sshll.u32 @!p0 s5, $0x11;
	s7 =	sadd.s32 @!p0 $0x11B8D, s7;
	_ =	swait.eq @!p0 [sflag:s6], $0x1  }
0xb8: {  	s5 =	sor.u32 @!p0 s5, s7;
	[sflag:s6] =	ssyncadd.s32 @!p0 $0xFFFFFFFF  }
0xb9: {  	s25 =	simm.s32 $0x1B8E;
	s24 =	sld [smem:$0x3FFE];
	[sflag:s5] =	ssyncadd.remote.s32 @!p0 $0x1  }
0xba: {  	s26 =	simm.s32 $execute0_lowered;
	[smem:$0x3FD2] =	sst s25  }
0xbb: {  	s6 =	sshll.u32 s26, $0x1;
	_ =	strace $0x80000049;
	[dreg:$0x1] =	wrdreg $0xFFFFFFFF  }
0xbc: {  	s28 =	simm.s32 $_size_execute0_lowered;
	s4 =	sadd.s32 s4, s6;
	[dreg:$0x0] =	wrdreg $0x0  }
0xbd: {  	s6 =	sshll.u32 s28, $0x1;
	[dreg:$0x2] =	wrdreg s4  }
0xbe: {  	[dreg:$0x3] =	wrdreg s6  }
0xbf: {  	[dreg:$0x4] =	wrdreg $0xC0  }
0xc0: {  	_ =	task [dreg:s22], $0x5FFFF  }
0xc1: {  	[dreg:$0x1] =	wrdreg $0xFFFFFFFF  }
0xc2: {  	[dreg:$0x0] =	wrdreg $0x60  }
0xc3: {  	[dreg:$0x2] =	wrdreg s24  }
0xc4: {  	[dreg:$0x3] =	wrdreg s17  }
0xc5: {  	[dreg:$0x4] =	wrdreg $0x9  }
0xc6: {  	_ =	task.clear_ibuf [dreg:s22], $0x5FFFF;
	_ =	strace $0x90000049  }
0xc7: {  	s29 =	simm.s32 $0x9;
	_ =	strace $0x8000004B  }
0xc8: {  	_ =	swait.ge [sflag:s29], $0x1  }
0xc9: {  	[sflag:s29] =	ssyncadd.s32 $0xFFFFFFFF  }
0xca: {  	_ =	strace $0x9000004B  }
0xcb: {  	_ =	sfence  }
0xcc: {  	s30 =	sld [smem:$0x0];
	_ =	sdelay $0x2  }
0xcd: {  	s31 =	sshll.u32 s1, $0xD;
	s1 =	sshrl.u32 s1, $0x2  }
0xce: {  	s4 =	sand.u32 $0x4000, s31;
	s1 =	sadd.s32 s1, s30  }
0xcf: {  	s0 =	sor.u32 s4, s0;
	s1 =	sshll.u32 s1, $0x11  }
0xd0: {  	s0 =	sor.u32 s1, s0  }
0xd1: {  	s0 =	sadd.s32 $0x8F2B, s0  }
0xd2: {  	[sflag:s0] =	ssyncadd.remote.s32 $0x1  }
0xd3: {  	_ =	sfence.sel $0xFFFF  }
0xd4: {  	[dreg:$0x0] =	wrdreg $0xFFFFFFFF;
	(pc) =	sbr.abs _section_cstart, $3  }
0xd5: {  	[dreg:$0x1] =	wrdreg $0xFFFFFFFF  }
0xd6: {  	_ =	task.clear_ibuf [dreg:s22], $0x2FFFF;
	_ =	strace $0x9FFFFFFF  }
0xd7: {  	(tm) =	ssettm $0x7FFFFFFF  }
tec
execute0_lowered:
.L_overlay_start_1:
0x0: {  	(tag) =	ssettag $0x1  }
0x1: {  	s5 =	rddreg [dreg:$0x0]  }
0x2: {  	s0 =	srdreg.scid;
	s6 =	rddreg [dreg:$0x1]  }
0x3: {  	s1 =	stileid.u32;
	s2 =	simm.s32 $0x0;
	s10 =	simm.s32 $0x80  }
0x4: {  	s11 =	simm.s32 $0x2800;
	s12 =	simm.s32 $0x6800;
	s13 =	simm.s32 $0x1  }
0x5: {  	s14 =	simm.s32 $0xA800;
	s15 =	simm.s32 $0x2;
	s16 =	simm.s32 $0x4  }
0x6: {  	s17 =	simm.s32 $0xE800;
	s18 =	simm.s32 $0x3;
	s4 =	sand.u32 $0x1, s0  }
0x7: {  	s19 =	simm.s32 $0x0;
	s0 =	rddreg [dreg:$0x2];
	s3 =	sshll.u32 s4, $0x4  }
.Ltmp0:
0x8: {  	[smem:$0x7FF] =	sst s2;
	s7 =	sor.u32 s1, s3;
	(pc) =	sbr.rel .LBB2_1-.Ltmp0, $4  }
0x9: {  	_ =	strace $0x8000004A;
	s8 =	ssub.s32 $0x2, s4;
	s3 =	smul.u32 $0x50, s7  }
0xa: {  	s4 =	sadd.s32 $0xA00, s5;
	s9 =	sshrl.u32 s8, $0x1;
	s7 =	smul.u32 $0x500, s7  }
0xb: {  	s5 =	sadd.s32 $0x1443000, s5;
	s8 =	ssub.s32 s8, s9;
	s9 =	simm.s32 $0x5  }
0xc: {  	s8 =	smax.u32 s8, $0x1;
	s6 =	sadd.s32 s6, s7;
	s7 =	sor.u32 $0x1, s3  }
.LBB2_12:
0xd: {  	s19 =	sadd.s32 $0x1, s19  }
0xe: {  	_ =	swait.ge [sflag:s18], $0x4000;
	p0 =	sne.s32 s19, s8  }
.Ltmp1:
0xf: {  	[sflag:s18] =	ssyncset.done $0x0;
	(pc) =	sbr.rel @!p0 .LBB2_13-.Ltmp1, $4  }
0x10: {  	[sflag:s18] =	ssyncadd.s32 $0xFFFFC000  }
0x11: {  	_ =	swait.ge [sflag:s16], $0x4000  }
0x12: {  	[sflag:s16] =	ssyncset.done $0x0  }
0x13: {  	[sflag:s16] =	ssyncadd.s32 $0xFFFFC000  }
.LBB2_1:
0x14: {  	[tilespmem:s2], [sflag:$0x5] =	stream.linear.gather [hbm4b:s6+s2], $0x2800, $0x38;
	[tilespmem:$0x12800] =	vst v63  }
0x15: {  	_ =	swait.ge [sflag:s9], $0x2800  }
0x16: {  	[sflag:s9] =	ssyncset.done $0x0  }
0x17: {  	[sflag:s9] =	ssyncadd.s32 $0xFFFFD800  }
0x18: {  	[tilespmem:s11], [sflag:$0x1] =	stream.indirect.gather [hbm4b:s4+s10], $0x80, s2, s10, $0xb8;
	[tilespmem:$0x12800] =	vst v63  }
0x19: {  	s20 =	simm.s32 $0x0  }
0x1a: {  	[tilespmem:s12], [sflag:$0x2] =	stream.indirect.gather [hbm4b:s4+s10], $0x80, s10, s10, $0xb8;
	[tilespmem:$0x12800] =	vst v63  }
.LBB2_2:
0x1b: {  	_ =	swait.ge [sflag:s13], $0x4000  }
0x1c: {  	p0 =	seq.s32 s20, $0x0;
	[sflag:s13] =	ssyncset.done $0x0  }
0x1d: {  	s21 =	simm.s32 @!p0 $0x3;
	[sflag:s13] =	ssyncadd.s32 $0xFFFFC000  }
0x1e: {  	_ =	swait.ge @!p0 [sflag:s21], $0x4000  }
0x1f: {  	[sflag:s21] =	ssyncset.done @!p0 $0x0  }
0x20: {  	s22 =	simm.s32 $0x0;
	[sflag:s21] =	ssyncadd.s32 @!p0 $0xFFFFC000  }
0x21: {  	v1 =	vld [tilespmem:s22+$0x2830]  }
0x22: {  	v2 =	vld [tilespmem:s22+$0x2800]  }
0x23: {  	v0 =	vld [tilespmem:s22+$0x2810]  }
0x24: {  	s23 =	simm.s32 $0x200;
	s21 =	sshll.u32 s20, $0x1;
	v3 =	vld [tilespmem:s22+$0x2820]  }
.LBB2_3:
0x25: {  	p1 =	sne.s32 s23, $0xFE00  }
.Ltmp2:
0x26: {  	s24 =	sshra.s32 s23, $0x2;
	s23 =	sadd.s32 $0x200, s23;
	[tilespmem:s22+$0xA830] =	vst v1;
	(pc) =	sbr.rel @p1 .LBB2_3-.Ltmp2, $4  }
0x27: {  	v1 =	vld [tilespmem:s24+$0x2830];
	[tilespmem:s22+$0xA800] =	vst v2  }
0x28: {  	v2 =	vld [tilespmem:s24+$0x2800];
	[tilespmem:s22+$0xA810] =	vst v0  }
0x29: {  	v0 =	vld [tilespmem:s24+$0x2810];
	[tilespmem:s22+$0xA820] =	vst v3;
	s22 =	smov.u32 s24  }
0x2a: {  	v3 =	vld [tilespmem:s22+$0x2820]  }
0x2b: {  	p1 =	sne.s32 s20, $0x27  }
.Ltmp3:
0x2c: {  	[tilespmem:s22+$0xA830] =	vst v1;
	(pc) =	sbr.rel @p1 .LBB2_6-.Ltmp3, $4  }
0x2d: {  	s23 =	sadd.s32 s3, s21;
	[tilespmem:s22+$0xA800] =	vst v2  }
0x2e: {  	s23 =	sshll.u32 s23, $0xB;
	[tilespmem:s22+$0xA810] =	vst v0  }
0x2f: {  	s31 =	sadd.s32 s5, s23;
	[tilespmem:s22+$0xA820] =	vst v3  }
0x30: {  	[hbm4b:s31+s2] =	stream.linear.scatter [tilespmem:s14], [sflag:$0x3], $0x4000, $0x38;
	[tilespmem:$0x12800] =	vst v63  }
.Ltmp4:
0x31: {  	(pc) =	sbr.rel .LBB2_7-.Ltmp4, $4  }
0x32: {  	_ = 	snop  }
0x33: {  	_ =	swait.ge [sflag:s15], $0x4000  }
0x34: {  	[sflag:s15] =	ssyncset.done $0x0  }
0x35: {  	[sflag:s15] =	ssyncadd.s32 $0xFFFFC000  }
.LBB2_6:
0x36: {  	s22 =	sshll.u32 s20, $0x8  }
0x37: {  	s22 =	sand.u32 $0x3FFFFF00, s22  }
.Ltmp5:
0x38: {  	s22 =	sadd.s32 $0x100, s22;
	(pc) =	sbr.rel @p0 .LBB2_8-.Ltmp5, $4  }
0x39: {  	[tilespmem:s11], [sflag:$0x1] =	stream.indirect.gather [hbm4b:s4+s10], $0x80, s22, s10, $0xb8;
	[tilespmem:$0x12800] =	vst v63  }
0x3a: {  	_ =	swait.ge [sflag:s15], $0x4000  }
0x3b: {  	[sflag:s15] =	ssyncset.done $0x0  }
0x3c: {  	[sflag:s15] =	ssyncadd.s32 $0xFFFFC000  }
.LBB2_7:
0x3d: {  	_ =	swait.ge [sflag:s16], $0x4000  }
0x3e: {  	[sflag:s16] =	ssyncset.done $0x0  }
0x3f: {  	[sflag:s16] =	ssyncadd.s32 $0xFFFFC000  }
.LBB2_8:
0x40: {  	s22 =	simm.s32 $0x0  }
0x41: {  	v3 =	vld [tilespmem:s22+$0x6830]  }
0x42: {  	v1 =	vld [tilespmem:s22+$0x6800]  }
0x43: {  	v0 =	vld [tilespmem:s22+$0x6810]  }
0x44: {  	s23 =	simm.s32 $0x200;
	v2 =	vld [tilespmem:s22+$0x6820]  }
.LBB2_9:
0x45: {  	p0 =	sne.s32 s23, $0xFE00  }
.Ltmp6:
0x46: {  	s24 =	sshra.s32 s23, $0x2;
	s23 =	sadd.s32 $0x200, s23;
	[tilespmem:s22+$0xE830] =	vst v3;
	(pc) =	sbr.rel @p0 .LBB2_9-.Ltmp6, $4  }
0x47: {  	v3 =	vld [tilespmem:s24+$0x6830];
	[tilespmem:s22+$0xE800] =	vst v1  }
0x48: {  	v1 =	vld [tilespmem:s24+$0x6800];
	[tilespmem:s22+$0xE810] =	vst v0  }
0x49: {  	v0 =	vld [tilespmem:s24+$0x6810];
	[tilespmem:s22+$0xE820] =	vst v2;
	s22 =	smov.u32 s24  }
0x4a: {  	v2 =	vld [tilespmem:s22+$0x6820]  }
0x4b: {  	p0 =	seq.s32 s20, $0x27  }
.Ltmp7:
0x4c: {  	s21 =	sadd.s32 s21, s7;
	[tilespmem:s22+$0xE830] =	vst v3;
	(pc) =	sbr.rel @p0 .LBB2_12-.Ltmp7, $4  }
0x4d: {  	s21 =	sshll.u32 s21, $0xB;
	[tilespmem:s22+$0xE800] =	vst v1  }
0x4e: {  	s21 =	sand.u32 $0xFFFF800, s21;
	[tilespmem:s22+$0xE810] =	vst v0  }
0x4f: {  	s21 =	sadd.s32 s5, s21;
	[tilespmem:s22+$0xE820] =	vst v2  }
0x50: {  	[hbm4b:s21+s2] =	stream.linear.scatter [tilespmem:s17], [sflag:$0x4], $0x4000, $0x38;
	[tilespmem:$0x12800] =	vst v63  }
.Ltmp8:
0x51: {  	(pc) =	sbr.rel .LBB2_2-.Ltmp8, $4  }
0x52: {  	s21 =	sshll.u32 s20, $0x8  }
0x53: {  	s21 =	sand.u32 $0x3FFFFF00, s21  }
0x54: {  	s20 =	sadd.s32 $0x1, s20;
	s21 =	sadd.s32 $0x180, s21  }
0x55: {  	[tilespmem:s12], [sflag:$0x2] =	stream.indirect.gather [hbm4b:s4+s10], $0x80, s21, s10, $0xb8;
	[tilespmem:$0x12800] =	vst v63  }
.LBB2_13:
0x56: {  	_ =	sfence.sel $0x180000  }
0x57: {  	[bflag:$0x0] =	sbarrier.arrive $0xFFFF  }
0x58: {  	p0 =	sne.s32 s1, $0x0;
	_ =	strace $0x9000004A  }
0x59: {  	s0 =	sadd.s32 @!p0 $0x100000, s0;
	[bflag:$0x2] =	sbarrier.arrive $0xFFFF  }
0x5a: {  	[sflag:s0] =	ssyncadd.tile.s32 @!p0 $0x1;
	_ =	shalt  }
.Lfunc_end2:
_tile_overlayer_lowered:
.L_overlay_start_2:
0x5b: {  	(tag) =	ssettag $0x2  }
0x5c: {  	s0 =	rddreg [dreg:$0x0];
	s2 =	stileid.u32  }
0x5d: {  	s1 =	rddreg [dreg:$0x1];
	p0 =	sne.s32 s2, $0x0  }
0x5e: {  	s3 =	rddreg [dreg:$0x2];
	[bflag:$0x3] =	sbarrier.arrive $0xFFFF;
	s2 =	simm.s32 @!p0 $0x1C05  }
0x5f: {  	[timem:s3], [sflag:s2] =	dma.local @!p0 [hbm:s0], s1  }
0x60: {  	s0 =	simm.s32 @!p0 $0x5  }
0x61: {  	_ =	swait.ge @!p0 [sflag:s0], s1  }
0x62: {  	s1 =	ssub.s32 @!p0 $0x0, s1;
	[sflag:s0] =	ssyncset.done @!p0 $0x0  }
0x63: {  	[sflag:s0] =	ssyncadd.s32 @!p0 s1  }
0x64: {  	[bflag:$0x3] =	sbarrier.arrive $0xFFFF  }
0x65: {  	_ =	shalt  }

</sc_bundles>
